<compile_context>
chip_gen: v7x
topology: tpu7x:2x2x1
jax: 0.10.2.dev20260603
libtpu: 0.0.44.dev20260713+nightly
codegen_flags: <defaults>
</compile_context>

<pallas_src>
import jax
import jax.numpy as jnp
from jax.experimental import pallas as pl
from jax.experimental.pallas import tpu as pltpu

_B, _N, _C = 4, 4096, 64
_M, _K = 1024, 32
_HI = jax.lax.Precision.HIGHEST
_BF = jnp.bfloat16
_F32 = jnp.float32


def _r(x):
    return x.astype(_BF).astype(_F32)


def _fps_body(x_ref, xt_ref, idx_ref, cx_ref):
    iota_n = jax.lax.broadcasted_iota(jnp.int32, (1, _N), 1)
    iota_m = jax.lax.broadcasted_iota(jnp.int32, (1, _M), 1)

    x3 = x_ref[...]

    def step(i, carry):
        fars, dists, accs = carry
        cs = []
        for b in range(_B):
            c = x_ref[b, pl.ds(fars[b], 1), :]
            cx_ref[b, pl.ds(i, 1), :] = c
            cs.append(c)
        c3 = jnp.concatenate(cs, axis=0)[:, None, :]
        d3 = jnp.sum((x3 - c3) ** 2, axis=-1)
        new_fars, new_dists, new_accs = [], [], []
        for b in range(_B):
            dist = jnp.minimum(dists[b], d3[b:b + 1, :])
            m = jnp.max(dist)
            nf = jnp.min(jnp.where(dist == m, iota_n, _N)).astype(jnp.int32)
            acc = jnp.where(iota_m == i, fars[b], accs[b])
            new_fars.append(nf)
            new_dists.append(dist)
            new_accs.append(acc)
        return (tuple(new_fars), tuple(new_dists), tuple(new_accs))

    fars0 = tuple(jnp.int32(0) for _ in range(_B))
    dists0 = tuple(jnp.full((1, _N), 1e10, _F32) for _ in range(_B))
    accs0 = tuple(jnp.zeros((1, _M), jnp.int32) for _ in range(_B))
    fars, dists, accs = jax.lax.fori_loop(0, _M, step, (fars0, dists0, accs0))
    for b in range(_B):
        idx_ref[pl.ds(b, 1), :] = accs[b]


def _run_fps(xyz):
    xt = jnp.swapaxes(xyz, 1, 2)
    return pl.pallas_call(
        _fps_body,
        out_shape=[
            jax.ShapeDtypeStruct((_B, _M), jnp.int32),
            jax.ShapeDtypeStruct((_B, _M, _C), _F32),
        ],
        in_specs=[pl.BlockSpec(memory_space=pltpu.VMEM),
                  pl.BlockSpec(memory_space=pltpu.VMEM)],
        out_specs=[
            pl.BlockSpec(memory_space=pltpu.VMEM),
            pl.BlockSpec(memory_space=pltpu.VMEM),
        ],
    )(xyz, xt)


_CB = 256


def _knn_body(x_ref, cx_ref, xt_ref, mask_ref):
    x = x_ref[0]
    xt = xt_ref[0]
    cx = cx_ref[0]
    sq = jnp.sum(x * x, axis=-1).reshape(1, _N)
    csq = jnp.sum(cx * cx, axis=-1).reshape(_CB, 1)
    cross = jax.lax.dot_general(
        _r(cx), _r(xt), (((1,), (0,)), ((), ())),
        precision=_HI, preferred_element_type=_F32)
    d = csq - 2.0 * cross + sq
    iota = jax.lax.broadcasted_iota(jnp.int32, (_CB, _N), 1)
    macc = jnp.zeros((_CB, _N), jnp.int32)
    for _ in range(_K):
        m = jnp.min(d, axis=1, keepdims=True)
        amin = jnp.min(jnp.where(d <= m, iota, _N), axis=1, keepdims=True)
        hit = iota == amin
        macc = jnp.where(hit, 1, macc)
        d = jnp.where(hit, jnp.float32(jnp.inf), d)
    mask_ref[0] = macc.astype(jnp.int8)


def _run_knn(cx, xyz):
    xt = jnp.swapaxes(xyz, 1, 2)
    return pl.pallas_call(
        _knn_body,
        grid=(_B, _M // _CB),
        out_shape=jax.ShapeDtypeStruct((_B, _M, _N), jnp.int8),
        in_specs=[
            pl.BlockSpec((1, _N, _C), lambda b, cb: (b, 0, 0)),
            pl.BlockSpec((1, _CB, _C), lambda b, cb: (b, cb, 0)),
            pl.BlockSpec((1, _C, _N), lambda b, cb: (b, 0, 0)),
        ],
        out_specs=pl.BlockSpec((1, _CB, _N), lambda b, cb: (b, cb, 0)),
    )(xyz, cx, xt)


def _tables_body(f_ref, wq_ref, wk_ref, wv_ref, q_ref, k_ref, v_ref):
    f = _r(f_ref[0, 0])
    for w_ref, o_ref in ((wq_ref, q_ref), (wk_ref, k_ref), (wv_ref, v_ref)):
        w = _r(w_ref[0])
        o = jax.lax.dot_general(f, w, (((1,), (0,)), ((), ())),
                                precision=_HI, preferred_element_type=_F32)
        o_ref[0, 0] = o.astype(_BF)


def _run_tables(F, WQ, WK, WV):
    ns = F.shape[0]
    tbl = jax.ShapeDtypeStruct((ns, _B, _N, _C), _BF)
    return pl.pallas_call(
        _tables_body,
        grid=(ns, _B),
        out_shape=[tbl, tbl, tbl],
        in_specs=[
            pl.BlockSpec((1, 1, _N, _C), lambda s, b: (s, b, 0, 0)),
            pl.BlockSpec((1, _C, _C), lambda s, b: (s, 0, 0)),
            pl.BlockSpec((1, _C, _C), lambda s, b: (s, 0, 0)),
            pl.BlockSpec((1, _C, _C), lambda s, b: (s, 0, 0)),
        ],
        out_specs=[
            pl.BlockSpec((1, 1, _N, _C), lambda s, b: (s, b, 0, 0)),
            pl.BlockSpec((1, 1, _N, _C), lambda s, b: (s, b, 0, 0)),
            pl.BlockSpec((1, 1, _N, _C), lambda s, b: (s, b, 0, 0)),
        ],
    )(F, WQ, WK, WV)


_AB = 256


def _attn_body(q_ref, k_ref, v_ref, mask_ref, fps_ref,
               w1_ref, b1_ref, w2_ref, b2_ref, out_ref):
    fi = fps_ref[0]
    iota_n = jax.lax.broadcasted_iota(jnp.int32, (_AB, _N), 1)
    onehot = (iota_n == fi).astype(_F32)
    qt = q_ref[0, 0].astype(_F32)
    q = jax.lax.dot_general(onehot, qt, (((1,), (0,)), ((), ())),
                            precision=_HI, preferred_element_type=_F32)
    kt = k_ref[0, 0].astype(_F32)
    s = jax.lax.dot_general(q, kt, (((1,), (1,)), ((), ())),
                            precision=_HI, preferred_element_type=_F32)
    lm = s * 0.125
    msk = mask_ref[0] != 0
    mmax = jnp.max(jnp.where(msk, lm, -1e30), axis=1, keepdims=True)
    p = jnp.where(msk, jnp.exp(lm - mmax), 0.0)
    den = jnp.sum(p, axis=1, keepdims=True)
    attn = _r(p / den)
    vt = v_ref[0, 0].astype(_F32)
    a = jax.lax.dot_general(attn, vt, (((1,), (0,)), ((), ())),
                            precision=_HI, preferred_element_type=_F32)
    h = jax.lax.dot_general(_r(a), _r(w1_ref[0]), (((1,), (0,)), ((), ())),
                            precision=_HI, preferred_element_type=_F32)
    h = jnp.maximum(h + b1_ref[0], 0.0)
    o = jax.lax.dot_general(_r(h), _r(w2_ref[0]), (((1,), (0,)), ((), ())),
                            precision=_HI, preferred_element_type=_F32)
    out_ref[0, 0] = jnp.maximum(o + b2_ref[0], 0.0)


def _run_attn(Q, K, V, mask, fps_col, W1, B1, W2, B2):
    ns = Q.shape[0]
    co = W2.shape[-1]
    return pl.pallas_call(
        _attn_body,
        grid=(_B, ns, _M // _AB),
        out_shape=jax.ShapeDtypeStruct((ns, _B, _M, co), _F32),
        in_specs=[
            pl.BlockSpec((1, 1, _N, _C), lambda b, s, mb: (s, b, 0, 0)),
            pl.BlockSpec((1, 1, _N, _C), lambda b, s, mb: (s, b, 0, 0)),
            pl.BlockSpec((1, 1, _N, _C), lambda b, s, mb: (s, b, 0, 0)),
            pl.BlockSpec((1, _AB, _N), lambda b, s, mb: (b, mb, 0)),
            pl.BlockSpec((1, _AB, 1), lambda b, s, mb: (b, mb, 0)),
            pl.BlockSpec((1, _C, co), lambda b, s, mb: (s, 0, 0)),
            pl.BlockSpec((1, 1, co), lambda b, s, mb: (s, 0, 0)),
            pl.BlockSpec((1, co, co), lambda b, s, mb: (s, 0, 0)),
            pl.BlockSpec((1, 1, co), lambda b, s, mb: (s, 0, 0)),
        ],
        out_specs=pl.BlockSpec((1, 1, _AB, co), lambda b, s, mb: (s, b, mb, 0)),
    )(Q, K, V, mask, fps_col, W1, B1, W2, B2)


def _fps_jnp(xyz, m):
    b, n, c = xyz.shape
    centroids = jnp.zeros((b, m), dtype=jnp.int32)
    distance = jnp.full((b, n), 1e10, dtype=xyz.dtype)
    farthest = jnp.zeros((b,), dtype=jnp.int32)

    def body(i, carry):
        centroids, distance, farthest = carry
        centroids = centroids.at[:, i].set(farthest)
        centroid = xyz[jnp.arange(b), farthest]
        d = jnp.sum((xyz - centroid[:, None, :]) ** 2, axis=-1)
        distance = jnp.minimum(distance, d)
        farthest = jnp.argmax(distance, axis=-1).astype(jnp.int32)
        return (centroids, distance, farthest)

    centroids, _, _ = jax.lax.fori_loop(0, m, body,
                                        (centroids, distance, farthest))
    return centroids


def kernel(xyz_fea, pmt_fea, mad_fea, dim_fea, nor_fea, loc_fea, fea, params):
    xyz = xyz_fea
    fps_idx = _fps_jnp(xyz, _M)

    def _ip(points, idx):
        nb = points.shape[0]
        bi = jnp.arange(nb).reshape((nb,) + (1,) * (idx.ndim - 1))
        return points[bi, idx]

    cx = _ip(xyz, fps_idx)
    mask = _run_knn(cx, xyz)

    feats = (xyz_fea, pmt_fea, mad_fea, dim_fea, nor_fea, loc_fea, fea)
    streams = ('xyz', 'pmt', 'mad', 'dim', 'nor', 'loc', 'fea')
    F = jnp.stack(feats)
    WQ = jnp.stack([params[s]['Wq'] for s in streams])
    WK = jnp.stack([params[s]['Wk'] for s in streams])
    WV = jnp.stack([params[s]['Wv'] for s in streams])
    W1 = jnp.stack([params[s]['W1'] for s in streams])
    B1 = jnp.stack([params[s]['b1'] for s in streams])[:, None, :]
    W2 = jnp.stack([params[s]['W2'] for s in streams])
    B2 = jnp.stack([params[s]['b2'] for s in streams])[:, None, :]

    Q, K, V = _run_tables(F, WQ, WK, WV)
    O = _run_attn(Q, K, V, mask, fps_idx[:, :, None], W1, B1, W2, B2)
    return tuple(O[i] for i in range(7))

# --- scband reference (transcript-rebuilt; emitter-appended) ---
"""Pipeline reference for scband-multi-ssa-73985106641104 (READ-ONLY COPY).

The authoritative reference and input builder live on the scoring server;
editing this copy changes nothing except your own understanding.
"""

import jax, jax.numpy as jnp
import numpy as np

B, N, C_IN = 4, 4096, 64
N_CENTER, N_NEAR, N_STEPK, C_OUT = 1024, 32, 16, 128
STREAMS = ('xyz', 'pmt', 'mad', 'dim', 'nor', 'loc', 'fea')


def index_points(points, idx):
    b = points.shape[0]
    batch = jnp.arange(b).reshape((b,) + (1,) * (idx.ndim - 1))
    return points[batch, idx]


def surface_knn(xyz, n_near, n_stepk):
    # Reference for stepwise surface KNN: Euclidean KNN over the feature space
    # (same index semantics: [B, N, n_near] neighbor indices per point).
    sq = jnp.sum(xyz * xyz, axis=-1)
    d = sq[:, :, None] - 2.0 * jnp.einsum('bnc,bmc->bnm', xyz, xyz) + sq[:, None, :]
    _, idx = jax.lax.top_k(-d, n_near)
    return idx


def fps(xyz, m):
    b, n, c = xyz.shape
    centroids = jnp.zeros((b, m), dtype=jnp.int32)
    distance = jnp.full((b, n), 1e10, dtype=xyz.dtype)
    farthest = jnp.zeros((b,), dtype=jnp.int32)

    def body(i, carry):
        centroids, distance, farthest = carry
        centroids = centroids.at[:, i].set(farthest)
        centroid = xyz[jnp.arange(b), farthest]
        d = jnp.sum((xyz - centroid[:, None, :]) ** 2, axis=-1)
        distance = jnp.minimum(distance, d)
        farthest = jnp.argmax(distance, axis=-1).astype(jnp.int32)
        return (centroids, distance, farthest)

    centroids, _, _ = jax.lax.fori_loop(0, m, body, (centroids, distance, farthest))
    return centroids


def point_attention(center, group, p):
    c = center.shape[-1]
    q = center @ p['Wq']
    k = group @ p['Wk']
    v = group @ p['Wv']
    logits = jnp.einsum('bsc,bskc->bsk', q, k) / jnp.sqrt(jnp.float32(c))
    attn = jax.nn.softmax(logits, axis=-1)
    return jnp.einsum('bsk,bskc->bsc', attn, v)


def mlp(x, p):
    h = jax.nn.relu(x @ p['W1'] + p['b1'])
    return jax.nn.relu(h @ p['W2'] + p['b2'])


def _make_params():
    params = {}
    pk = jax.random.key(1)
    for s in STREAMS:
        pk, k1, k2, k3, k4, k5 = jax.random.split(pk, 6)
        params[s] = {
            'Wq': jax.random.normal(k1, (C_IN, C_IN), jnp.float32) * (C_IN ** -0.5),
            'Wk': jax.random.normal(k2, (C_IN, C_IN), jnp.float32) * (C_IN ** -0.5),
            'Wv': jax.random.normal(k3, (C_IN, C_IN), jnp.float32) * (C_IN ** -0.5),
            'W1': jax.random.normal(k4, (C_IN, C_OUT), jnp.float32) * (C_IN ** -0.5),
            'b1': jnp.zeros((C_OUT,), jnp.float32),
            'W2': jax.random.normal(k5, (C_OUT, C_OUT), jnp.float32) * (C_OUT ** -0.5),
            'b2': jnp.zeros((C_OUT,), jnp.float32),
        }
    return params


def setup_inputs(seed: int = 0) -> dict:
    key = jax.random.key(seed)
    names = ('xyz_fea', 'pmt_fea', 'mad_fea', 'dim_fea', 'nor_fea', 'loc_fea', 'fea')
    ks = jax.random.split(key, len(names))
    inp = {n: jax.random.normal(ks[i], (B, N, C_IN), jnp.float32) for i, n in enumerate(names)}
    inp['params'] = _make_params()
    return inp


def reference(xyz_fea, pmt_fea, mad_fea, dim_fea, nor_fea, loc_fea, fea, params):
    xyz_ng = jax.lax.stop_gradient(xyz_fea)
    idx_all = surface_knn(xyz_ng, N_NEAR, N_STEPK)
    fps_idx = fps(xyz_ng, N_CENTER)
    idx = index_points(idx_all, fps_idx)
    feats = (xyz_fea, pmt_fea, mad_fea, dim_fea, nor_fea, loc_fea, fea)
    outs = []
    for s, f in zip(STREAMS, feats):
        center = index_points(f, fps_idx)
        group = index_points(f, idx)
        a = point_attention(center, group, params[s])
        outs.append(mlp(a, params[s]))
    return tuple(outs)

if __name__ == "__main__":
    import jax
    _d = setup_inputs()
    print(jax.jit(kernel)(*tuple(_d.values())))

</pallas_src>

<mosaic_0001>
module attributes {stable_mosaic.version = 14 : i64} {
  func.func @_tables_body(%arg0: i32, %arg1: i32, %arg2: memref<1x1x4096x64xf32, #tpu.memory_space<vmem>>, %arg3: memref<1x64x64xf32, #tpu.memory_space<vmem>>, %arg4: memref<1x64x64xf32, #tpu.memory_space<vmem>>, %arg5: memref<1x64x64xf32, #tpu.memory_space<vmem>>, %arg6: memref<1x1x4096x64xbf16, #tpu.memory_space<vmem>>, %arg7: memref<1x1x4096x64xbf16, #tpu.memory_space<vmem>>, %arg8: memref<1x1x4096x64xbf16, #tpu.memory_space<vmem>>) attributes {dimension_semantics = [#tpu.dimension_semantics<arbitrary>, #tpu.dimension_semantics<arbitrary>], iteration_bounds = array<i64: 7, 4>, scalar_prefetch = 0 : i64, scratch_operands = 0 : i64, tpu.core_type = #tpu.core_type<tc>, window_params = [{transform_indices = @transform_0, window_bounds = array<i64: 1, 1, 4096, 64>}, {transform_indices = @transform_1, window_bounds = array<i64: 1, 64, 64>}, {transform_indices = @transform_2, window_bounds = array<i64: 1, 64, 64>}, {transform_indices = @transform_3, window_bounds = array<i64: 1, 64, 64>}, {transform_indices = @transform_4, window_bounds = array<i64: 1, 1, 4096, 64>}, {transform_indices = @transform_5, window_bounds = array<i64: 1, 1, 4096, 64>}, {transform_indices = @transform_6, window_bounds = array<i64: 1, 1, 4096, 64>}]} {
    %get3A = arith.constant 0 : index
    %get3A_0 = arith.constant 0 : index
    %get3A_1 = arith.constant 0 : index
    %get3A_2 = arith.constant 0 : index
    %get3A_3 = vector.load %arg2[%get3A, %get3A_0, %get3A_1, %get3A_2] : memref<1x1x4096x64xf32, #tpu.memory_space<vmem>>, vector<1x1x4096x64xf32>
    %get3A_4 = vector.shape_cast %get3A_3 : vector<1x1x4096x64xf32> to vector<4096x64xf32>
    %convert_element_type3A = arith.truncf %get3A_4 : vector<4096x64xf32> to vector<4096x64xbf16>
    %convert_element_type3A_5 = arith.extf %convert_element_type3A : vector<4096x64xbf16> to vector<4096x64xf32>
    %get3A_6 = arith.constant 0 : index
    %get3A_7 = arith.constant 0 : index
    %get3A_8 = arith.constant 0 : index
    %get3A_9 = vector.load %arg3[%get3A_6, %get3A_7, %get3A_8] : memref<1x64x64xf32, #tpu.memory_space<vmem>>, vector<1x64x64xf32>
    %get3A_10 = vector.shape_cast %get3A_9 : vector<1x64x64xf32> to vector<64x64xf32>
    %convert_element_type3A_11 = arith.truncf %get3A_10 : vector<64x64xf32> to vector<64x64xbf16>
    %convert_element_type3A_12 = arith.extf %convert_element_type3A_11 : vector<64x64xbf16> to vector<64x64xf32>
    %dot_general3A = arith.constant dense<0.000000e+00> : vector<4096x64xf32>
    %dot_general3A_13 = tpu.matmul %convert_element_type3A_5, %convert_element_type3A_12, %dot_general3A {dimension_numbers = #tpu.dot_dimension_numbers<[1], [0], [0], [1], [0, 0, 1, 1], [], []>, precision = #tpu.contract_precision<fp32>, transpose_lhs_hint = false} : vector<4096x64xf32>, vector<64x64xf32>, vector<4096x64xf32> -> vector<4096x64xf32>
    %convert_element_type3A_14 = arith.truncf %dot_general3A_13 : vector<4096x64xf32> to vector<4096x64xbf16>
    %swap3A = arith.constant 0 : index
    %swap3A_15 = arith.constant 0 : index
    %swap3A_16 = arith.constant 0 : index
    %swap3A_17 = arith.constant 0 : index
    %swap3A_18 = vector.load %arg6[%swap3A, %swap3A_15, %swap3A_16, %swap3A_17] : memref<1x1x4096x64xbf16, #tpu.memory_space<vmem>>, vector<1x1x4096x64xbf16>
    %swap3A_19 = vector.shape_cast %swap3A_18 : vector<1x1x4096x64xbf16> to vector<4096x64xbf16>
    %swap3A_20 = vector.shape_cast %convert_element_type3A_14 : vector<4096x64xbf16> to vector<1x1x4096x64xbf16>
    tpu.vector_store %arg6[%swap3A, %swap3A_15, %swap3A_16, %swap3A_17], %swap3A_20 {strides = array<i32>} : memref<1x1x4096x64xbf16, #tpu.memory_space<vmem>>, vector<1x1x4096x64xbf16>,
    %get3A_21 = arith.constant 0 : index
    %get3A_22 = arith.constant 0 : index
    %get3A_23 = arith.constant 0 : index
    %get3A_24 = vector.load %arg4[%get3A_21, %get3A_22, %get3A_23] : memref<1x64x64xf32, #tpu.memory_space<vmem>>, vector<1x64x64xf32>
    %get3A_25 = vector.shape_cast %get3A_24 : vector<1x64x64xf32> to vector<64x64xf32>
    %convert_element_type3A_26 = arith.truncf %get3A_25 : vector<64x64xf32> to vector<64x64xbf16>
    %convert_element_type3A_27 = arith.extf %convert_element_type3A_26 : vector<64x64xbf16> to vector<64x64xf32>
    %dot_general3A_28 = arith.constant dense<0.000000e+00> : vector<4096x64xf32>
    %dot_general3A_29 = tpu.matmul %convert_element_type3A_5, %convert_element_type3A_27, %dot_general3A_28 {dimension_numbers = #tpu.dot_dimension_numbers<[1], [0], [0], [1], [0, 0, 1, 1], [], []>, precision = #tpu.contract_precision<fp32>, transpose_lhs_hint = false} : vector<4096x64xf32>, vector<64x64xf32>, vector<4096x64xf32> -> vector<4096x64xf32>
    %convert_element_type3A_30 = arith.truncf %dot_general3A_29 : vector<4096x64xf32> to vector<4096x64xbf16>
    %swap3A_31 = arith.constant 0 : index
    %swap3A_32 = arith.constant 0 : index
    %swap3A_33 = arith.constant 0 : index
    %swap3A_34 = arith.constant 0 : index
    %swap3A_35 = vector.load %arg7[%swap3A_31, %swap3A_32, %swap3A_33, %swap3A_34] : memref<1x1x4096x64xbf16, #tpu.memory_space<vmem>>, vector<1x1x4096x64xbf16>
    %swap3A_36 = vector.shape_cast %swap3A_35 : vector<1x1x4096x64xbf16> to vector<4096x64xbf16>
    %swap3A_37 = vector.shape_cast %convert_element_type3A_30 : vector<4096x64xbf16> to vector<1x1x4096x64xbf16>
    tpu.vector_store %arg7[%swap3A_31, %swap3A_32, %swap3A_33, %swap3A_34], %swap3A_37 {strides = array<i32>} : memref<1x1x4096x64xbf16, #tpu.memory_space<vmem>>, vector<1x1x4096x64xbf16>,
    %get3A_38 = arith.constant 0 : index
    %get3A_39 = arith.constant 0 : index
    %get3A_40 = arith.constant 0 : index
    %get3A_41 = vector.load %arg5[%get3A_38, %get3A_39, %get3A_40] : memref<1x64x64xf32, #tpu.memory_space<vmem>>, vector<1x64x64xf32>
    %get3A_42 = vector.shape_cast %get3A_41 : vector<1x64x64xf32> to vector<64x64xf32>
    %convert_element_type3A_43 = arith.truncf %get3A_42 : vector<64x64xf32> to vector<64x64xbf16>
    %convert_element_type3A_44 = arith.extf %convert_element_type3A_43 : vector<64x64xbf16> to vector<64x64xf32>
    %dot_general3A_45 = arith.constant dense<0.000000e+00> : vector<4096x64xf32>
    %dot_general3A_46 = tpu.matmul %convert_element_type3A_5, %convert_element_type3A_44, %dot_general3A_45 {dimension_numbers = #tpu.dot_dimension_numbers<[1], [0], [0], [1], [0, 0, 1, 1], [], []>, precision = #tpu.contract_precision<fp32>, transpose_lhs_hint = false} : vector<4096x64xf32>, vector<64x64xf32>, vector<4096x64xf32> -> vector<4096x64xf32>
    %convert_element_type3A_47 = arith.truncf %dot_general3A_46 : vector<4096x64xf32> to vector<4096x64xbf16>
    %swap3A_48 = arith.constant 0 : index
    %swap3A_49 = arith.constant 0 : index
    %swap3A_50 = arith.constant 0 : index
    %swap3A_51 = arith.constant 0 : index
    %swap3A_52 = vector.load %arg8[%swap3A_48, %swap3A_49, %swap3A_50, %swap3A_51] : memref<1x1x4096x64xbf16, #tpu.memory_space<vmem>>, vector<1x1x4096x64xbf16>
    %swap3A_53 = vector.shape_cast %swap3A_52 : vector<1x1x4096x64xbf16> to vector<4096x64xbf16>
    %swap3A_54 = vector.shape_cast %convert_element_type3A_47 : vector<4096x64xbf16> to vector<1x1x4096x64xbf16>
    tpu.vector_store %arg8[%swap3A_48, %swap3A_49, %swap3A_50, %swap3A_51], %swap3A_54 {strides = array<i32>} : memref<1x1x4096x64xbf16, #tpu.memory_space<vmem>>, vector<1x1x4096x64xbf16>,
    return
  }
  func.func @transform_0(%arg0: i32, %arg1: i32) -> (i32, i32, i32, i32) {
    %c0_i32 = arith.constant 0 : i32
    %c0_i32_0 = arith.constant 0 : i32
    %c0_i32_1 = arith.constant 0 : i32
    return %arg0, %arg1, %c0_i32, %c0_i32_0 : i32, i32, i32, i32
  }
  func.func @transform_1(%arg0: i32, %arg1: i32) -> (i32, i32, i32) {
    %c0_i32 = arith.constant 0 : i32
    %c0_i32_0 = arith.constant 0 : i32
    %c0_i32_1 = arith.constant 0 : i32
    return %arg0, %c0_i32, %c0_i32_0 : i32, i32, i32
  }
  func.func @transform_2(%arg0: i32, %arg1: i32) -> (i32, i32, i32) {
    %c0_i32 = arith.constant 0 : i32
    %c0_i32_0 = arith.constant 0 : i32
    %c0_i32_1 = arith.constant 0 : i32
    return %arg0, %c0_i32, %c0_i32_0 : i32, i32, i32
  }
  func.func @transform_3(%arg0: i32, %arg1: i32) -> (i32, i32, i32) {
    %c0_i32 = arith.constant 0 : i32
    %c0_i32_0 = arith.constant 0 : i32
    %c0_i32_1 = arith.constant 0 : i32
    return %arg0, %c0_i32, %c0_i32_0 : i32, i32, i32
  }
  func.func @transform_4(%arg0: i32, %arg1: i32) -> (i32, i32, i32, i32) {
    %c0_i32 = arith.constant 0 : i32
    %c0_i32_0 = arith.constant 0 : i32
    %c0_i32_1 = arith.constant 0 : i32
    return %arg0, %arg1, %c0_i32, %c0_i32_0 : i32, i32, i32, i32
  }
  func.func @transform_5(%arg0: i32, %arg1: i32) -> (i32, i32, i32, i32) {
    %c0_i32 = arith.constant 0 : i32
    %c0_i32_0 = arith.constant 0 : i32
    %c0_i32_1 = arith.constant 0 : i32
    return %arg0, %arg1, %c0_i32, %c0_i32_0 : i32, i32, i32, i32
  }
  func.func @transform_6(%arg0: i32, %arg1: i32) -> (i32, i32, i32, i32) {
    %c0_i32 = arith.constant 0 : i32
    %c0_i32_0 = arith.constant 0 : i32
    %c0_i32_1 = arith.constant 0 : i32
    return %arg0, %arg1, %c0_i32, %c0_i32_0 : i32, i32, i32, i32
  }
}

module attributes {stable_mosaic.version = 14 : i64} {
  func.func @_knn_body(%arg0: i32, %arg1: i32, %arg2: memref<1x4096x64xf32, #tpu.memory_space<vmem>>, %arg3: memref<1x256x64xf32, #tpu.memory_space<vmem>>, %arg4: memref<1x64x4096xf32, #tpu.memory_space<vmem>>, %arg5: memref<1x256x4096xi8, #tpu.memory_space<vmem>>) attributes {dimension_semantics = [#tpu.dimension_semantics<arbitrary>, #tpu.dimension_semantics<arbitrary>], iteration_bounds = array<i64: 4, 4>, scalar_prefetch = 0 : i64, scratch_operands = 0 : i64, tpu.core_type = #tpu.core_type<tc>, window_params = [{transform_indices = @transform_0, window_bounds = array<i64: 1, 4096, 64>}, {transform_indices = @transform_1, window_bounds = array<i64: 1, 256, 64>}, {transform_indices = @transform_2, window_bounds = array<i64: 1, 64, 4096>}, {transform_indices = @transform_3, window_bounds = array<i64: 1, 256, 4096>}]} {
    %get3A = arith.constant 0 : index
    %get3A_0 = arith.constant 0 : index
    %get3A_1 = arith.constant 0 : index
    %get3A_2 = vector.load %arg2[%get3A, %get3A_0, %get3A_1] : memref<1x4096x64xf32, #tpu.memory_space<vmem>>, vector<1x4096x64xf32>
    %get3A_3 = vector.shape_cast %get3A_2 : vector<1x4096x64xf32> to vector<4096x64xf32>
    %get3A_4 = arith.constant 0 : index
    %get3A_5 = arith.constant 0 : index
    %get3A_6 = arith.constant 0 : index
    %get3A_7 = vector.load %arg4[%get3A_4, %get3A_5, %get3A_6] : memref<1x64x4096xf32, #tpu.memory_space<vmem>>, vector<1x64x4096xf32>
    %get3A_8 = vector.shape_cast %get3A_7 : vector<1x64x4096xf32> to vector<64x4096xf32>
    %get3A_9 = arith.constant 0 : index
    %get3A_10 = arith.constant 0 : index
    %get3A_11 = arith.constant 0 : index
    %get3A_12 = vector.load %arg3[%get3A_9, %get3A_10, %get3A_11] : memref<1x256x64xf32, #tpu.memory_space<vmem>>, vector<1x256x64xf32>
    %get3A_13 = vector.shape_cast %get3A_12 : vector<1x256x64xf32> to vector<256x64xf32>
    %mul3A = arith.mulf %get3A_3, %get3A_3 : vector<4096x64xf32>
    %reduce_sum3A = arith.constant dense<0.000000e+00> : vector<4096xf32>
    %reduce_sum3A_14 = vector.multi_reduction <add>, %mul3A, %reduce_sum3A [1] : vector<4096x64xf32> to vector<4096xf32>
    %reshape3A = vector.shape_cast %reduce_sum3A_14 : vector<4096xf32> to vector<1x4096xf32>
    %mul3A_15 = arith.mulf %get3A_13, %get3A_13 : vector<256x64xf32>
    %reduce_sum3A_16 = arith.constant dense<0.000000e+00> : vector<256xf32>
    %reduce_sum3A_17 = vector.multi_reduction <add>, %mul3A_15, %reduce_sum3A_16 [1] : vector<256x64xf32> to vector<256xf32>
    %reshape3A_18 = vector.shape_cast %reduce_sum3A_17 : vector<256xf32> to vector<256x1xf32>
    %convert_element_type3A = arith.truncf %get3A_13 : vector<256x64xf32> to vector<256x64xbf16>
    %convert_element_type3A_19 = arith.extf %convert_element_type3A : vector<256x64xbf16> to vector<256x64xf32>
    %convert_element_type3A_20 = arith.truncf %get3A_8 : vector<64x4096xf32> to vector<64x4096xbf16>
    %convert_element_type3A_21 = arith.extf %convert_element_type3A_20 : vector<64x4096xbf16> to vector<64x4096xf32>
    %dot_general3A = arith.constant dense<0.000000e+00> : vector<256x4096xf32>
    %dot_general3A_22 = tpu.matmul %convert_element_type3A_19, %convert_element_type3A_21, %dot_general3A {dimension_numbers = #tpu.dot_dimension_numbers<[1], [0], [0], [1], [0, 0, 1, 1], [], []>, precision = #tpu.contract_precision<fp32>, transpose_lhs_hint = false} : vector<256x64xf32>, vector<64x4096xf32>, vector<256x4096xf32> -> vector<256x4096xf32>
    %mul3A_23 = arith.constant 2.000000e+00 : f32
    %mul3A_24 = vector.broadcast %mul3A_23 : f32 to vector<256x4096xf32>
    %mul3A_25 = arith.mulf %mul3A_24, %dot_general3A_22 : vector<256x4096xf32>
    %sub3A = vector.broadcast %reshape3A_18 : vector<256x1xf32> to vector<256x4096xf32>
    %sub3A_26 = arith.subf %sub3A, %mul3A_25 : vector<256x4096xf32>
    %add3A = vector.broadcast %reshape3A : vector<1x4096xf32> to vector<256x4096xf32>
    %add3A_27 = arith.addf %sub3A_26, %add3A : vector<256x4096xf32>
    %iota3A = tpu.iota {dimensions = array<i32: 1>} : vector<256x4096xi32>
    %broadcast_in_dim3A = arith.constant 0 : i32
    %broadcast_in_dim3A_28 = vector.broadcast %broadcast_in_dim3A : i32 to vector<256x4096xi32>
    %reduce_min3A = arith.constant dense<0x7F800000> : vector<256xf32>
    %reduce_min3A_29 = vector.multi_reduction <minimumf>, %add3A_27, %reduce_min3A [1] : vector<256x4096xf32> to vector<256xf32>
    %broadcast_in_dim3A_30 = vector.shape_cast %reduce_min3A_29 : vector<256xf32> to vector<256x1xf32>
    %le3A = vector.broadcast %broadcast_in_dim3A_30 : vector<256x1xf32> to vector<256x4096xf32>
    %le3A_31 = arith.cmpf ole, %add3A_27, %le3A : vector<256x4096xf32>
    %jit3A = arith.constant 4096 : i32
    %broadcast_in_dim3A_32 = vector.broadcast %jit3A : i32 to vector<256x4096xi32>
    %select_n3A = arith.select %le3A_31, %iota3A, %broadcast_in_dim3A_32 : vector<256x4096xi1>, vector<256x4096xi32>
    %reduce_min3A_33 = arith.constant dense<2147483647> : vector<256xi32>
    %reduce_min3A_34 = vector.multi_reduction <minsi>, %select_n3A, %reduce_min3A_33 [1] : vector<256x4096xi32> to vector<256xi32>
    %broadcast_in_dim3A_35 = vector.shape_cast %reduce_min3A_34 : vector<256xi32> to vector<256x1xi32>
    %eq3A = vector.broadcast %broadcast_in_dim3A_35 : vector<256x1xi32> to vector<256x4096xi32>
    %eq3A_36 = arith.cmpi eq, %iota3A, %eq3A : vector<256x4096xi32>
    %jit3A_37 = arith.constant 1 : i32
    %broadcast_in_dim3A_38 = vector.broadcast %jit3A_37 : i32 to vector<256x4096xi32>
    %select_n3A_39 = arith.select %eq3A_36, %broadcast_in_dim3A_38, %broadcast_in_dim3A_28 : vector<256x4096xi1>, vector<256x4096xi32>
    %jit3A_40 = arith.constant 0x7F800000 : f32
    %broadcast_in_dim3A_41 = vector.broadcast %jit3A_40 : f32 to vector<256x4096xf32>
    %select_n3A_42 = arith.select %eq3A_36, %broadcast_in_dim3A_41, %add3A_27 : vector<256x4096xi1>, vector<256x4096xf32>
    %reduce_min3A_43 = arith.constant dense<0x7F800000> : vector<256xf32>
    %reduce_min3A_44 = vector.multi_reduction <minimumf>, %select_n3A_42, %reduce_min3A_43 [1] : vector<256x4096xf32> to vector<256xf32>
    %broadcast_in_dim3A_45 = vector.shape_cast %reduce_min3A_44 : vector<256xf32> to vector<256x1xf32>
    %le3A_46 = vector.broadcast %broadcast_in_dim3A_45 : vector<256x1xf32> to vector<256x4096xf32>
    %le3A_47 = arith.cmpf ole, %select_n3A_42, %le3A_46 : vector<256x4096xf32>
    %jit3A_48 = arith.constant 4096 : i32
    %broadcast_in_dim3A_49 = vector.broadcast %jit3A_48 : i32 to vector<256x4096xi32>
    %select_n3A_50 = arith.select %le3A_47, %iota3A, %broadcast_in_dim3A_49 : vector<256x4096xi1>, vector<256x4096xi32>
    %reduce_min3A_51 = arith.constant dense<2147483647> : vector<256xi32>
    %reduce_min3A_52 = vector.multi_reduction <minsi>, %select_n3A_50, %reduce_min3A_51 [1] : vector<256x4096xi32> to vector<256xi32>
    %broadcast_in_dim3A_53 = vector.shape_cast %reduce_min3A_52 : vector<256xi32> to vector<256x1xi32>
    %eq3A_54 = vector.broadcast %broadcast_in_dim3A_53 : vector<256x1xi32> to vector<256x4096xi32>
    %eq3A_55 = arith.cmpi eq, %iota3A, %eq3A_54 : vector<256x4096xi32>
    %jit3A_56 = arith.constant 1 : i32
    %broadcast_in_dim3A_57 = vector.broadcast %jit3A_56 : i32 to vector<256x4096xi32>
    %select_n3A_58 = arith.select %eq3A_55, %broadcast_in_dim3A_57, %select_n3A_39 : vector<256x4096xi1>, vector<256x4096xi32>
    %jit3A_59 = arith.constant 0x7F800000 : f32
    %broadcast_in_dim3A_60 = vector.broadcast %jit3A_59 : f32 to vector<256x4096xf32>
    %select_n3A_61 = arith.select %eq3A_55, %broadcast_in_dim3A_60, %select_n3A_42 : vector<256x4096xi1>, vector<256x4096xf32>
    %reduce_min3A_62 = arith.constant dense<0x7F800000> : vector<256xf32>
    %reduce_min3A_63 = vector.multi_reduction <minimumf>, %select_n3A_61, %reduce_min3A_62 [1] : vector<256x4096xf32> to vector<256xf32>
    %broadcast_in_dim3A_64 = vector.shape_cast %reduce_min3A_63 : vector<256xf32> to vector<256x1xf32>
    %le3A_65 = vector.broadcast %broadcast_in_dim3A_64 : vector<256x1xf32> to vector<256x4096xf32>
    %le3A_66 = arith.cmpf ole, %select_n3A_61, %le3A_65 : vector<256x4096xf32>
    %jit3A_67 = arith.constant 4096 : i32
    %broadcast_in_dim3A_68 = vector.broadcast %jit3A_67 : i32 to vector<256x4096xi32>
    %select_n3A_69 = arith.select %le3A_66, %iota3A, %broadcast_in_dim3A_68 : vector<256x4096xi1>, vector<256x4096xi32>
    %reduce_min3A_70 = arith.constant dense<2147483647> : vector<256xi32>
    %reduce_min3A_71 = vector.multi_reduction <minsi>, %select_n3A_69, %reduce_min3A_70 [1] : vector<256x4096xi32> to vector<256xi32>
    %broadcast_in_dim3A_72 = vector.shape_cast %reduce_min3A_71 : vector<256xi32> to vector<256x1xi32>
    %eq3A_73 = vector.broadcast %broadcast_in_dim3A_72 : vector<256x1xi32> to vector<256x4096xi32>
    %eq3A_74 = arith.cmpi eq, %iota3A, %eq3A_73 : vector<256x4096xi32>
    %jit3A_75 = arith.constant 1 : i32
    %broadcast_in_dim3A_76 = vector.broadcast %jit3A_75 : i32 to vector<256x4096xi32>
    %select_n3A_77 = arith.select %eq3A_74, %broadcast_in_dim3A_76, %select_n3A_58 : vector<256x4096xi1>, vector<256x4096xi32>
    %jit3A_78 = arith.constant 0x7F800000 : f32
    %broadcast_in_dim3A_79 = vector.broadcast %jit3A_78 : f32 to vector<256x4096xf32>
    %select_n3A_80 = arith.select %eq3A_74, %broadcast_in_dim3A_79, %select_n3A_61 : vector<256x4096xi1>, vector<256x4096xf32>
    %reduce_min3A_81 = arith.constant dense<0x7F800000> : vector<256xf32>
    %reduce_min3A_82 = vector.multi_reduction <minimumf>, %select_n3A_80, %reduce_min3A_81 [1] : vector<256x4096xf32> to vector<256xf32>
    %broadcast_in_dim3A_83 = vector.shape_cast %reduce_min3A_82 : vector<256xf32> to vector<256x1xf32>
    %le3A_84 = vector.broadcast %broadcast_in_dim3A_83 : vector<256x1xf32> to vector<256x4096xf32>
    %le3A_85 = arith.cmpf ole, %select_n3A_80, %le3A_84 : vector<256x4096xf32>
    %jit3A_86 = arith.constant 4096 : i32
    %broadcast_in_dim3A_87 = vector.broadcast %jit3A_86 : i32 to vector<256x4096xi32>
    %select_n3A_88 = arith.select %le3A_85, %iota3A, %broadcast_in_dim3A_87 : vector<256x4096xi1>, vector<256x4096xi32>
    %reduce_min3A_89 = arith.constant dense<2147483647> : vector<256xi32>
    %reduce_min3A_90 = vector.multi_reduction <minsi>, %select_n3A_88, %reduce_min3A_89 [1] : vector<256x4096xi32> to vector<256xi32>
    %broadcast_in_dim3A_91 = vector.shape_cast %reduce_min3A_90 : vector<256xi32> to vector<256x1xi32>
    %eq3A_92 = vector.broadcast %broadcast_in_dim3A_91 : vector<256x1xi32> to vector<256x4096xi32>
    %eq3A_93 = arith.cmpi eq, %iota3A, %eq3A_92 : vector<256x4096xi32>
    %jit3A_94 = arith.constant 1 : i32
    %broadcast_in_dim3A_95 = vector.broadcast %jit3A_94 : i32 to vector<256x4096xi32>
    %select_n3A_96 = arith.select %eq3A_93, %broadcast_in_dim3A_95, %select_n3A_77 : vector<256x4096xi1>, vector<256x4096xi32>
    %jit3A_97 = arith.constant 0x7F800000 : f32
    %broadcast_in_dim3A_98 = vector.broadcast %jit3A_97 : f32 to vector<256x4096xf32>
    %select_n3A_99 = arith.select %eq3A_93, %broadcast_in_dim3A_98, %select_n3A_80 : vector<256x4096xi1>, vector<256x4096xf32>
    %reduce_min3A_100 = arith.constant dense<0x7F800000> : vector<256xf32>
    %reduce_min3A_101 = vector.multi_reduction <minimumf>, %select_n3A_99, %reduce_min3A_100 [1] : vector<256x4096xf32> to vector<256xf32>
    %broadcast_in_dim3A_102 = vector.shape_cast %reduce_min3A_101 : vector<256xf32> to vector<256x1xf32>
    %le3A_103 = vector.broadcast %broadcast_in_dim3A_102 : vector<256x1xf32> to vector<256x4096xf32>
    %le3A_104 = arith.cmpf ole, %select_n3A_99, %le3A_103 : vector<256x4096xf32>
    %jit3A_105 = arith.constant 4096 : i32
    %broadcast_in_dim3A_106 = vector.broadcast %jit3A_105 : i32 to vector<256x4096xi32>
    %select_n3A_107 = arith.select %le3A_104, %iota3A, %broadcast_in_dim3A_106 : vector<256x4096xi1>, vector<256x4096xi32>
    %reduce_min3A_108 = arith.constant dense<2147483647> : vector<256xi32>
    %reduce_min3A_109 = vector.multi_reduction <minsi>, %select_n3A_107, %reduce_min3A_108 [1] : vector<256x4096xi32> to vector<256xi32>
    %broadcast_in_dim3A_110 = vector.shape_cast %reduce_min3A_109 : vector<256xi32> to vector<256x1xi32>
    %eq3A_111 = vector.broadcast %broadcast_in_dim3A_110 : vector<256x1xi32> to vector<256x4096xi32>
    %eq3A_112 = arith.cmpi eq, %iota3A, %eq3A_111 : vector<256x4096xi32>
    %jit3A_113 = arith.constant 1 : i32
    %broadcast_in_dim3A_114 = vector.broadcast %jit3A_113 : i32 to vector<256x4096xi32>
    %select_n3A_115 = arith.select %eq3A_112, %broadcast_in_dim3A_114, %select_n3A_96 : vector<256x4096xi1>, vector<256x4096xi32>
    %jit3A_116 = arith.constant 0x7F800000 : f32
    %broadcast_in_dim3A_117 = vector.broadcast %jit3A_116 : f32 to vector<256x4096xf32>
    %select_n3A_118 = arith.select %eq3A_112, %broadcast_in_dim3A_117, %select_n3A_99 : vector<256x4096xi1>, vector<256x4096xf32>
    %reduce_min3A_119 = arith.constant dense<0x7F800000> : vector<256xf32>
    %reduce_min3A_120 = vector.multi_reduction <minimumf>, %select_n3A_118, %reduce_min3A_119 [1] : vector<256x4096xf32> to vector<256xf32>
    %broadcast_in_dim3A_121 = vector.shape_cast %reduce_min3A_120 : vector<256xf32> to vector<256x1xf32>
    %le3A_122 = vector.broadcast %broadcast_in_dim3A_121 : vector<256x1xf32> to vector<256x4096xf32>
    %le3A_123 = arith.cmpf ole, %select_n3A_118, %le3A_122 : vector<256x4096xf32>
    %jit3A_124 = arith.constant 4096 : i32
    %broadcast_in_dim3A_125 = vector.broadcast %jit3A_124 : i32 to vector<256x4096xi32>
    %select_n3A_126 = arith.select %le3A_123, %iota3A, %broadcast_in_dim3A_125 : vector<256x4096xi1>, vector<256x4096xi32>
    %reduce_min3A_127 = arith.constant dense<2147483647> : vector<256xi32>
    %reduce_min3A_128 = vector.multi_reduction <minsi>, %select_n3A_126, %reduce_min3A_127 [1] : vector<256x4096xi32> to vector<256xi32>
    %broadcast_in_dim3A_129 = vector.shape_cast %reduce_min3A_128 : vector<256xi32> to vector<256x1xi32>
    %eq3A_130 = vector.broadcast %broadcast_in_dim3A_129 : vector<256x1xi32> to vector<256x4096xi32>
    %eq3A_131 = arith.cmpi eq, %iota3A, %eq3A_130 : vector<256x4096xi32>
    %jit3A_132 = arith.constant 1 : i32
    %broadcast_in_dim3A_133 = vector.broadcast %jit3A_132 : i32 to vector<256x4096xi32>
    %select_n3A_134 = arith.select %eq3A_131, %broadcast_in_dim3A_133, %select_n3A_115 : vector<256x4096xi1>, vector<256x4096xi32>
    %jit3A_135 = arith.constant 0x7F800000 : f32
    %broadcast_in_dim3A_136 = vector.broadcast %jit3A_135 : f32 to vector<256x4096xf32>
    %select_n3A_137 = arith.select %eq3A_131, %broadcast_in_dim3A_136, %select_n3A_118 : vector<256x4096xi1>, vector<256x4096xf32>
    %reduce_min3A_138 = arith.constant dense<0x7F800000> : vector<256xf32>
    %reduce_min3A_139 = vector.multi_reduction <minimumf>, %select_n3A_137, %reduce_min3A_138 [1] : vector<256x4096xf32> to vector<256xf32>
    %broadcast_in_dim3A_140 = vector.shape_cast %reduce_min3A_139 : vector<256xf32> to vector<256x1xf32>
    %le3A_141 = vector.broadcast %broadcast_in_dim3A_140 : vector<256x1xf32> to vector<256x4096xf32>
    %le3A_142 = arith.cmpf ole, %select_n3A_137, %le3A_141 : vector<256x4096xf32>
    %jit3A_143 = arith.constant 4096 : i32
    %broadcast_in_dim3A_144 = vector.broadcast %jit3A_143 : i32 to vector<256x4096xi32>
    %select_n3A_145 = arith.select %le3A_142, %iota3A, %broadcast_in_dim3A_144 : vector<256x4096xi1>, vector<256x4096xi32>
    %reduce_min3A_146 = arith.constant dense<2147483647> : vector<256xi32>
    %reduce_min3A_147 = vector.multi_reduction <minsi>, %select_n3A_145, %reduce_min3A_146 [1] : vector<256x4096xi32> to vector<256xi32>
    %broadcast_in_dim3A_148 = vector.shape_cast %reduce_min3A_147 : vector<256xi32> to vector<256x1xi32>
    %eq3A_149 = vector.broadcast %broadcast_in_dim3A_148 : vector<256x1xi32> to vector<256x4096xi32>
    %eq3A_150 = arith.cmpi eq, %iota3A, %eq3A_149 : vector<256x4096xi32>
    %jit3A_151 = arith.constant 1 : i32
    %broadcast_in_dim3A_152 = vector.broadcast %jit3A_151 : i32 to vector<256x4096xi32>
    %select_n3A_153 = arith.select %eq3A_150, %broadcast_in_dim3A_152, %select_n3A_134 : vector<256x4096xi1>, vector<256x4096xi32>
    %jit3A_154 = arith.constant 0x7F800000 : f32
    %broadcast_in_dim3A_155 = vector.broadcast %jit3A_154 : f32 to vector<256x4096xf32>
    %select_n3A_156 = arith.select %eq3A_150, %broadcast_in_dim3A_155, %select_n3A_137 : vector<256x4096xi1>, vector<256x4096xf32>
    %reduce_min3A_157 = arith.constant dense<0x7F800000> : vector<256xf32>
    %reduce_min3A_158 = vector.multi_reduction <minimumf>, %select_n3A_156, %reduce_min3A_157 [1] : vector<256x4096xf32> to vector<256xf32>
    %broadcast_in_dim3A_159 = vector.shape_cast %reduce_min3A_158 : vector<256xf32> to vector<256x1xf32>
    %le3A_160 = vector.broadcast %broadcast_in_dim3A_159 : vector<256x1xf32> to vector<256x4096xf32>
    %le3A_161 = arith.cmpf ole, %select_n3A_156, %le3A_160 : vector<256x4096xf32>
    %jit3A_162 = arith.constant 4096 : i32
    %broadcast_in_dim3A_163 = vector.broadcast %jit3A_162 : i32 to vector<256x4096xi32>
    %select_n3A_164 = arith.select %le3A_161, %iota3A, %broadcast_in_dim3A_163 : vector<256x4096xi1>, vector<256x4096xi32>
    %reduce_min3A_165 = arith.constant dense<2147483647> : vector<256xi32>
    %reduce_min3A_166 = vector.multi_reduction <minsi>, %select_n3A_164, %reduce_min3A_165 [1] : vector<256x4096xi32> to vector<256xi32>
    %broadcast_in_dim3A_167 = vector.shape_cast %reduce_min3A_166 : vector<256xi32> to vector<256x1xi32>
    %eq3A_168 = vector.broadcast %broadcast_in_dim3A_167 : vector<256x1xi32> to vector<256x4096xi32>
    %eq3A_169 = arith.cmpi eq, %iota3A, %eq3A_168 : vector<256x4096xi32>
    %jit3A_170 = arith.constant 1 : i32
    %broadcast_in_dim3A_171 = vector.broadcast %jit3A_170 : i32 to vector<256x4096xi32>
    %select_n3A_172 = arith.select %eq3A_169, %broadcast_in_dim3A_171, %select_n3A_153 : vector<256x4096xi1>, vector<256x4096xi32>
    %jit3A_173 = arith.constant 0x7F800000 : f32
    %broadcast_in_dim3A_174 = vector.broadcast %jit3A_173 : f32 to vector<256x4096xf32>
    %select_n3A_175 = arith.select %eq3A_169, %broadcast_in_dim3A_174, %select_n3A_156 : vector<256x4096xi1>, vector<256x4096xf32>
    %reduce_min3A_176 = arith.constant dense<0x7F800000> : vector<256xf32>
    %reduce_min3A_177 = vector.multi_reduction <minimumf>, %select_n3A_175, %reduce_min3A_176 [1] : vector<256x4096xf32> to vector<256xf32>
    %broadcast_in_dim3A_178 = vector.shape_cast %reduce_min3A_177 : vector<256xf32> to vector<256x1xf32>
    %le3A_179 = vector.broadcast %broadcast_in_dim3A_178 : vector<256x1xf32> to vector<256x4096xf32>
    %le3A_180 = arith.cmpf ole, %select_n3A_175, %le3A_179 : vector<256x4096xf32>
    %jit3A_181 = arith.constant 4096 : i32
    %broadcast_in_dim3A_182 = vector.broadcast %jit3A_181 : i32 to vector<256x4096xi32>
    %select_n3A_183 = arith.select %le3A_180, %iota3A, %broadcast_in_dim3A_182 : vector<256x4096xi1>, vector<256x4096xi32>
    %reduce_min3A_184 = arith.constant dense<2147483647> : vector<256xi32>
    %reduce_min3A_185 = vector.multi_reduction <minsi>, %select_n3A_183, %reduce_min3A_184 [1] : vector<256x4096xi32> to vector<256xi32>
    %broadcast_in_dim3A_186 = vector.shape_cast %reduce_min3A_185 : vector<256xi32> to vector<256x1xi32>
    %eq3A_187 = vector.broadcast %broadcast_in_dim3A_186 : vector<256x1xi32> to vector<256x4096xi32>
    %eq3A_188 = arith.cmpi eq, %iota3A, %eq3A_187 : vector<256x4096xi32>
    %jit3A_189 = arith.constant 1 : i32
    %broadcast_in_dim3A_190 = vector.broadcast %jit3A_189 : i32 to vector<256x4096xi32>
    %select_n3A_191 = arith.select %eq3A_188, %broadcast_in_dim3A_190, %select_n3A_172 : vector<256x4096xi1>, vector<256x4096xi32>
    %jit3A_192 = arith.constant 0x7F800000 : f32
    %broadcast_in_dim3A_193 = vector.broadcast %jit3A_192 : f32 to vector<256x4096xf32>
    %select_n3A_194 = arith.select %eq3A_188, %broadcast_in_dim3A_193, %select_n3A_175 : vector<256x4096xi1>, vector<256x4096xf32>
    %reduce_min3A_195 = arith.constant dense<0x7F800000> : vector<256xf32>
    %reduce_min3A_196 = vector.multi_reduction <minimumf>, %select_n3A_194, %reduce_min3A_195 [1] : vector<256x4096xf32> to vector<256xf32>
    %broadcast_in_dim3A_197 = vector.shape_cast %reduce_min3A_196 : vector<256xf32> to vector<256x1xf32>
    %le3A_198 = vector.broadcast %broadcast_in_dim3A_197 : vector<256x1xf32> to vector<256x4096xf32>
    %le3A_199 = arith.cmpf ole, %select_n3A_194, %le3A_198 : vector<256x4096xf32>
    %jit3A_200 = arith.constant 4096 : i32
    %broadcast_in_dim3A_201 = vector.broadcast %jit3A_200 : i32 to vector<256x4096xi32>
    %select_n3A_202 = arith.select %le3A_199, %iota3A, %broadcast_in_dim3A_201 : vector<256x4096xi1>, vector<256x4096xi32>
    %reduce_min3A_203 = arith.constant dense<2147483647> : vector<256xi32>
    %reduce_min3A_204 = vector.multi_reduction <minsi>, %select_n3A_202, %reduce_min3A_203 [1] : vector<256x4096xi32> to vector<256xi32>
    %broadcast_in_dim3A_205 = vector.shape_cast %reduce_min3A_204 : vector<256xi32> to vector<256x1xi32>
    %eq3A_206 = vector.broadcast %broadcast_in_dim3A_205 : vector<256x1xi32> to vector<256x4096xi32>
    %eq3A_207 = arith.cmpi eq, %iota3A, %eq3A_206 : vector<256x4096xi32>
    %jit3A_208 = arith.constant 1 : i32
    %broadcast_in_dim3A_209 = vector.broadcast %jit3A_208 : i32 to vector<256x4096xi32>
    %select_n3A_210 = arith.select %eq3A_207, %broadcast_in_dim3A_209, %select_n3A_191 : vector<256x4096xi1>, vector<256x4096xi32>
    %jit3A_211 = arith.constant 0x7F800000 : f32
    %broadcast_in_dim3A_212 = vector.broadcast %jit3A_211 : f32 to vector<256x4096xf32>
    %select_n3A_213 = arith.select %eq3A_207, %broadcast_in_dim3A_212, %select_n3A_194 : vector<256x4096xi1>, vector<256x4096xf32>
    %reduce_min3A_214 = arith.constant dense<0x7F800000> : vector<256xf32>
    %reduce_min3A_215 = vector.multi_reduction <minimumf>, %select_n3A_213, %reduce_min3A_214 [1] : vector<256x4096xf32> to vector<256xf32>
    %broadcast_in_dim3A_216 = vector.shape_cast %reduce_min3A_215 : vector<256xf32> to vector<256x1xf32>
    %le3A_217 = vector.broadcast %broadcast_in_dim3A_216 : vector<256x1xf32> to vector<256x4096xf32>
    %le3A_218 = arith.cmpf ole, %select_n3A_213, %le3A_217 : vector<256x4096xf32>
    %jit3A_219 = arith.constant 4096 : i32
    %broadcast_in_dim3A_220 = vector.broadcast %jit3A_219 : i32 to vector<256x4096xi32>
    %select_n3A_221 = arith.select %le3A_218, %iota3A, %broadcast_in_dim3A_220 : vector<256x4096xi1>, vector<256x4096xi32>
    %reduce_min3A_222 = arith.constant dense<2147483647> : vector<256xi32>
    %reduce_min3A_223 = vector.multi_reduction <minsi>, %select_n3A_221, %reduce_min3A_222 [1] : vector<256x4096xi32> to vector<256xi32>
    %broadcast_in_dim3A_224 = vector.shape_cast %reduce_min3A_223 : vector<256xi32> to vector<256x1xi32>
    %eq3A_225 = vector.broadcast %broadcast_in_dim3A_224 : vector<256x1xi32> to vector<256x4096xi32>
    %eq3A_226 = arith.cmpi eq, %iota3A, %eq3A_225 : vector<256x4096xi32>
    %jit3A_227 = arith.constant 1 : i32
    %broadcast_in_dim3A_228 = vector.broadcast %jit3A_227 : i32 to vector<256x4096xi32>
    %select_n3A_229 = arith.select %eq3A_226, %broadcast_in_dim3A_228, %select_n3A_210 : vector<256x4096xi1>, vector<256x4096xi32>
    %jit3A_230 = arith.constant 0x7F800000 : f32
    %broadcast_in_dim3A_231 = vector.broadcast %jit3A_230 : f32 to vector<256x4096xf32>
    %select_n3A_232 = arith.select %eq3A_226, %broadcast_in_dim3A_231, %select_n3A_213 : vector<256x4096xi1>, vector<256x4096xf32>
    %reduce_min3A_233 = arith.constant dense<0x7F800000> : vector<256xf32>
    %reduce_min3A_234 = vector.multi_reduction <minimumf>, %select_n3A_232, %reduce_min3A_233 [1] : vector<256x4096xf32> to vector<256xf32>
    %broadcast_in_dim3A_235 = vector.shape_cast %reduce_min3A_234 : vector<256xf32> to vector<256x1xf32>
    %le3A_236 = vector.broadcast %broadcast_in_dim3A_235 : vector<256x1xf32> to vector<256x4096xf32>
    %le3A_237 = arith.cmpf ole, %select_n3A_232, %le3A_236 : vector<256x4096xf32>
    %jit3A_238 = arith.constant 4096 : i32
    %broadcast_in_dim3A_239 = vector.broadcast %jit3A_238 : i32 to vector<256x4096xi32>
    %select_n3A_240 = arith.select %le3A_237, %iota3A, %broadcast_in_dim3A_239 : vector<256x4096xi1>, vector<256x4096xi32>
    %reduce_min3A_241 = arith.constant dense<2147483647> : vector<256xi32>
    %reduce_min3A_242 = vector.multi_reduction <minsi>, %select_n3A_240, %reduce_min3A_241 [1] : vector<256x4096xi32> to vector<256xi32>
    %broadcast_in_dim3A_243 = vector.shape_cast %reduce_min3A_242 : vector<256xi32> to vector<256x1xi32>
    %eq3A_244 = vector.broadcast %broadcast_in_dim3A_243 : vector<256x1xi32> to vector<256x4096xi32>
    %eq3A_245 = arith.cmpi eq, %iota3A, %eq3A_244 : vector<256x4096xi32>
    %jit3A_246 = arith.constant 1 : i32
    %broadcast_in_dim3A_247 = vector.broadcast %jit3A_246 : i32 to vector<256x4096xi32>
    %select_n3A_248 = arith.select %eq3A_245, %broadcast_in_dim3A_247, %select_n3A_229 : vector<256x4096xi1>, vector<256x4096xi32>
    %jit3A_249 = arith.constant 0x7F800000 : f32
    %broadcast_in_dim3A_250 = vector.broadcast %jit3A_249 : f32 to vector<256x4096xf32>
    %select_n3A_251 = arith.select %eq3A_245, %broadcast_in_dim3A_250, %select_n3A_232 : vector<256x4096xi1>, vector<256x4096xf32>
    %reduce_min3A_252 = arith.constant dense<0x7F800000> : vector<256xf32>
    %reduce_min3A_253 = vector.multi_reduction <minimumf>, %select_n3A_251, %reduce_min3A_252 [1] : vector<256x4096xf32> to vector<256xf32>
    %broadcast_in_dim3A_254 = vector.shape_cast %reduce_min3A_253 : vector<256xf32> to vector<256x1xf32>
    %le3A_255 = vector.broadcast %broadcast_in_dim3A_254 : vector<256x1xf32> to vector<256x4096xf32>
    %le3A_256 = arith.cmpf ole, %select_n3A_251, %le3A_255 : vector<256x4096xf32>
    %jit3A_257 = arith.constant 4096 : i32
    %broadcast_in_dim3A_258 = vector.broadcast %jit3A_257 : i32 to vector<256x4096xi32>
    %select_n3A_259 = arith.select %le3A_256, %iota3A, %broadcast_in_dim3A_258 : vector<256x4096xi1>, vector<256x4096xi32>
    %reduce_min3A_260 = arith.constant dense<2147483647> : vector<256xi32>
    %reduce_min3A_261 = vector.multi_reduction <minsi>, %select_n3A_259, %reduce_min3A_260 [1] : vector<256x4096xi32> to vector<256xi32>
    %broadcast_in_dim3A_262 = vector.shape_cast %reduce_min3A_261 : vector<256xi32> to vector<256x1xi32>
    %eq3A_263 = vector.broadcast %broadcast_in_dim3A_262 : vector<256x1xi32> to vector<256x4096xi32>
    %eq3A_264 = arith.cmpi eq, %iota3A, %eq3A_263 : vector<256x4096xi32>
    %jit3A_265 = arith.constant 1 : i32
    %broadcast_in_dim3A_266 = vector.broadcast %jit3A_265 : i32 to vector<256x4096xi32>
    %select_n3A_267 = arith.select %eq3A_264, %broadcast_in_dim3A_266, %select_n3A_248 : vector<256x4096xi1>, vector<256x4096xi32>
    %jit3A_268 = arith.constant 0x7F800000 : f32
    %broadcast_in_dim3A_269 = vector.broadcast %jit3A_268 : f32 to vector<256x4096xf32>
    %select_n3A_270 = arith.select %eq3A_264, %broadcast_in_dim3A_269, %select_n3A_251 : vector<256x4096xi1>, vector<256x4096xf32>
    %reduce_min3A_271 = arith.constant dense<0x7F800000> : vector<256xf32>
    %reduce_min3A_272 = vector.multi_reduction <minimumf>, %select_n3A_270, %reduce_min3A_271 [1] : vector<256x4096xf32> to vector<256xf32>
    %broadcast_in_dim3A_273 = vector.shape_cast %reduce_min3A_272 : vector<256xf32> to vector<256x1xf32>
    %le3A_274 = vector.broadcast %broadcast_in_dim3A_273 : vector<256x1xf32> to vector<256x4096xf32>
    %le3A_275 = arith.cmpf ole, %select_n3A_270, %le3A_274 : vector<256x4096xf32>
    %jit3A_276 = arith.constant 4096 : i32
    %broadcast_in_dim3A_277 = vector.broadcast %jit3A_276 : i32 to vector<256x4096xi32>
    %select_n3A_278 = arith.select %le3A_275, %iota3A, %broadcast_in_dim3A_277 : vector<256x4096xi1>, vector<256x4096xi32>
    %reduce_min3A_279 = arith.constant dense<2147483647> : vector<256xi32>
    %reduce_min3A_280 = vector.multi_reduction <minsi>, %select_n3A_278, %reduce_min3A_279 [1] : vector<256x4096xi32> to vector<256xi32>
    %broadcast_in_dim3A_281 = vector.shape_cast %reduce_min3A_280 : vector<256xi32> to vector<256x1xi32>
    %eq3A_282 = vector.broadcast %broadcast_in_dim3A_281 : vector<256x1xi32> to vector<256x4096xi32>
    %eq3A_283 = arith.cmpi eq, %iota3A, %eq3A_282 : vector<256x4096xi32>
    %jit3A_284 = arith.constant 1 : i32
    %broadcast_in_dim3A_285 = vector.broadcast %jit3A_284 : i32 to vector<256x4096xi32>
    %select_n3A_286 = arith.select %eq3A_283, %broadcast_in_dim3A_285, %select_n3A_267 : vector<256x4096xi1>, vector<256x4096xi32>
    %jit3A_287 = arith.constant 0x7F800000 : f32
    %broadcast_in_dim3A_288 = vector.broadcast %jit3A_287 : f32 to vector<256x4096xf32>
    %select_n3A_289 = arith.select %eq3A_283, %broadcast_in_dim3A_288, %select_n3A_270 : vector<256x4096xi1>, vector<256x4096xf32>
    %reduce_min3A_290 = arith.constant dense<0x7F800000> : vector<256xf32>
    %reduce_min3A_291 = vector.multi_reduction <minimumf>, %select_n3A_289, %reduce_min3A_290 [1] : vector<256x4096xf32> to vector<256xf32>
    %broadcast_in_dim3A_292 = vector.shape_cast %reduce_min3A_291 : vector<256xf32> to vector<256x1xf32>
    %le3A_293 = vector.broadcast %broadcast_in_dim3A_292 : vector<256x1xf32> to vector<256x4096xf32>
    %le3A_294 = arith.cmpf ole, %select_n3A_289, %le3A_293 : vector<256x4096xf32>
    %jit3A_295 = arith.constant 4096 : i32
    %broadcast_in_dim3A_296 = vector.broadcast %jit3A_295 : i32 to vector<256x4096xi32>
    %select_n3A_297 = arith.select %le3A_294, %iota3A, %broadcast_in_dim3A_296 : vector<256x4096xi1>, vector<256x4096xi32>
    %reduce_min3A_298 = arith.constant dense<2147483647> : vector<256xi32>
    %reduce_min3A_299 = vector.multi_reduction <minsi>, %select_n3A_297, %reduce_min3A_298 [1] : vector<256x4096xi32> to vector<256xi32>
    %broadcast_in_dim3A_300 = vector.shape_cast %reduce_min3A_299 : vector<256xi32> to vector<256x1xi32>
    %eq3A_301 = vector.broadcast %broadcast_in_dim3A_300 : vector<256x1xi32> to vector<256x4096xi32>
    %eq3A_302 = arith.cmpi eq, %iota3A, %eq3A_301 : vector<256x4096xi32>
    %jit3A_303 = arith.constant 1 : i32
    %broadcast_in_dim3A_304 = vector.broadcast %jit3A_303 : i32 to vector<256x4096xi32>
    %select_n3A_305 = arith.select %eq3A_302, %broadcast_in_dim3A_304, %select_n3A_286 : vector<256x4096xi1>, vector<256x4096xi32>
    %jit3A_306 = arith.constant 0x7F800000 : f32
    %broadcast_in_dim3A_307 = vector.broadcast %jit3A_306 : f32 to vector<256x4096xf32>
    %select_n3A_308 = arith.select %eq3A_302, %broadcast_in_dim3A_307, %select_n3A_289 : vector<256x4096xi1>, vector<256x4096xf32>
    %reduce_min3A_309 = arith.constant dense<0x7F800000> : vector<256xf32>
    %reduce_min3A_310 = vector.multi_reduction <minimumf>, %select_n3A_308, %reduce_min3A_309 [1] : vector<256x4096xf32> to vector<256xf32>
    %broadcast_in_dim3A_311 = vector.shape_cast %reduce_min3A_310 : vector<256xf32> to vector<256x1xf32>
    %le3A_312 = vector.broadcast %broadcast_in_dim3A_311 : vector<256x1xf32> to vector<256x4096xf32>
    %le3A_313 = arith.cmpf ole, %select_n3A_308, %le3A_312 : vector<256x4096xf32>
    %jit3A_314 = arith.constant 4096 : i32
    %broadcast_in_dim3A_315 = vector.broadcast %jit3A_314 : i32 to vector<256x4096xi32>
    %select_n3A_316 = arith.select %le3A_313, %iota3A, %broadcast_in_dim3A_315 : vector<256x4096xi1>, vector<256x4096xi32>
    %reduce_min3A_317 = arith.constant dense<2147483647> : vector<256xi32>
    %reduce_min3A_318 = vector.multi_reduction <minsi>, %select_n3A_316, %reduce_min3A_317 [1] : vector<256x4096xi32> to vector<256xi32>
    %broadcast_in_dim3A_319 = vector.shape_cast %reduce_min3A_318 : vector<256xi32> to vector<256x1xi32>
    %eq3A_320 = vector.broadcast %broadcast_in_dim3A_319 : vector<256x1xi32> to vector<256x4096xi32>
    %eq3A_321 = arith.cmpi eq, %iota3A, %eq3A_320 : vector<256x4096xi32>
    %jit3A_322 = arith.constant 1 : i32
    %broadcast_in_dim3A_323 = vector.broadcast %jit3A_322 : i32 to vector<256x4096xi32>
    %select_n3A_324 = arith.select %eq3A_321, %broadcast_in_dim3A_323, %select_n3A_305 : vector<256x4096xi1>, vector<256x4096xi32>
    %jit3A_325 = arith.constant 0x7F800000 : f32
    %broadcast_in_dim3A_326 = vector.broadcast %jit3A_325 : f32 to vector<256x4096xf32>
    %select_n3A_327 = arith.select %eq3A_321, %broadcast_in_dim3A_326, %select_n3A_308 : vector<256x4096xi1>, vector<256x4096xf32>
    %reduce_min3A_328 = arith.constant dense<0x7F800000> : vector<256xf32>
    %reduce_min3A_329 = vector.multi_reduction <minimumf>, %select_n3A_327, %reduce_min3A_328 [1] : vector<256x4096xf32> to vector<256xf32>
    %broadcast_in_dim3A_330 = vector.shape_cast %reduce_min3A_329 : vector<256xf32> to vector<256x1xf32>
    %le3A_331 = vector.broadcast %broadcast_in_dim3A_330 : vector<256x1xf32> to vector<256x4096xf32>
    %le3A_332 = arith.cmpf ole, %select_n3A_327, %le3A_331 : vector<256x4096xf32>
    %jit3A_333 = arith.constant 4096 : i32
    %broadcast_in_dim3A_334 = vector.broadcast %jit3A_333 : i32 to vector<256x4096xi32>
    %select_n3A_335 = arith.select %le3A_332, %iota3A, %broadcast_in_dim3A_334 : vector<256x4096xi1>, vector<256x4096xi32>
    %reduce_min3A_336 = arith.constant dense<2147483647> : vector<256xi32>
    %reduce_min3A_337 = vector.multi_reduction <minsi>, %select_n3A_335, %reduce_min3A_336 [1] : vector<256x4096xi32> to vector<256xi32>
    %broadcast_in_dim3A_338 = vector.shape_cast %reduce_min3A_337 : vector<256xi32> to vector<256x1xi32>
    %eq3A_339 = vector.broadcast %broadcast_in_dim3A_338 : vector<256x1xi32> to vector<256x4096xi32>
    %eq3A_340 = arith.cmpi eq, %iota3A, %eq3A_339 : vector<256x4096xi32>
    %jit3A_341 = arith.constant 1 : i32
    %broadcast_in_dim3A_342 = vector.broadcast %jit3A_341 : i32 to vector<256x4096xi32>
    %select_n3A_343 = arith.select %eq3A_340, %broadcast_in_dim3A_342, %select_n3A_324 : vector<256x4096xi1>, vector<256x4096xi32>
    %jit3A_344 = arith.constant 0x7F800000 : f32
    %broadcast_in_dim3A_345 = vector.broadcast %jit3A_344 : f32 to vector<256x4096xf32>
    %select_n3A_346 = arith.select %eq3A_340, %broadcast_in_dim3A_345, %select_n3A_327 : vector<256x4096xi1>, vector<256x4096xf32>
    %reduce_min3A_347 = arith.constant dense<0x7F800000> : vector<256xf32>
    %reduce_min3A_348 = vector.multi_reduction <minimumf>, %select_n3A_346, %reduce_min3A_347 [1] : vector<256x4096xf32> to vector<256xf32>
    %broadcast_in_dim3A_349 = vector.shape_cast %reduce_min3A_348 : vector<256xf32> to vector<256x1xf32>
    %le3A_350 = vector.broadcast %broadcast_in_dim3A_349 : vector<256x1xf32> to vector<256x4096xf32>
    %le3A_351 = arith.cmpf ole, %select_n3A_346, %le3A_350 : vector<256x4096xf32>
    %jit3A_352 = arith.constant 4096 : i32
    %broadcast_in_dim3A_353 = vector.broadcast %jit3A_352 : i32 to vector<256x4096xi32>
    %select_n3A_354 = arith.select %le3A_351, %iota3A, %broadcast_in_dim3A_353 : vector<256x4096xi1>, vector<256x4096xi32>
    %reduce_min3A_355 = arith.constant dense<2147483647> : vector<256xi32>
    %reduce_min3A_356 = vector.multi_reduction <minsi>, %select_n3A_354, %reduce_min3A_355 [1] : vector<256x4096xi32> to vector<256xi32>
    %broadcast_in_dim3A_357 = vector.shape_cast %reduce_min3A_356 : vector<256xi32> to vector<256x1xi32>
    %eq3A_358 = vector.broadcast %broadcast_in_dim3A_357 : vector<256x1xi32> to vector<256x4096xi32>
    %eq3A_359 = arith.cmpi eq, %iota3A, %eq3A_358 : vector<256x4096xi32>
    %jit3A_360 = arith.constant 1 : i32
    %broadcast_in_dim3A_361 = vector.broadcast %jit3A_360 : i32 to vector<256x4096xi32>
    %select_n3A_362 = arith.select %eq3A_359, %broadcast_in_dim3A_361, %select_n3A_343 : vector<256x4096xi1>, vector<256x4096xi32>
    %jit3A_363 = arith.constant 0x7F800000 : f32
    %broadcast_in_dim3A_364 = vector.broadcast %jit3A_363 : f32 to vector<256x4096xf32>
    %select_n3A_365 = arith.select %eq3A_359, %broadcast_in_dim3A_364, %select_n3A_346 : vector<256x4096xi1>, vector<256x4096xf32>
    %reduce_min3A_366 = arith.constant dense<0x7F800000> : vector<256xf32>
    %reduce_min3A_367 = vector.multi_reduction <minimumf>, %select_n3A_365, %reduce_min3A_366 [1] : vector<256x4096xf32> to vector<256xf32>
    %broadcast_in_dim3A_368 = vector.shape_cast %reduce_min3A_367 : vector<256xf32> to vector<256x1xf32>
    %le3A_369 = vector.broadcast %broadcast_in_dim3A_368 : vector<256x1xf32> to vector<256x4096xf32>
    %le3A_370 = arith.cmpf ole, %select_n3A_365, %le3A_369 : vector<256x4096xf32>
    %jit3A_371 = arith.constant 4096 : i32
    %broadcast_in_dim3A_372 = vector.broadcast %jit3A_371 : i32 to vector<256x4096xi32>
    %select_n3A_373 = arith.select %le3A_370, %iota3A, %broadcast_in_dim3A_372 : vector<256x4096xi1>, vector<256x4096xi32>
    %reduce_min3A_374 = arith.constant dense<2147483647> : vector<256xi32>
    %reduce_min3A_375 = vector.multi_reduction <minsi>, %select_n3A_373, %reduce_min3A_374 [1] : vector<256x4096xi32> to vector<256xi32>
    %broadcast_in_dim3A_376 = vector.shape_cast %reduce_min3A_375 : vector<256xi32> to vector<256x1xi32>
    %eq3A_377 = vector.broadcast %broadcast_in_dim3A_376 : vector<256x1xi32> to vector<256x4096xi32>
    %eq3A_378 = arith.cmpi eq, %iota3A, %eq3A_377 : vector<256x4096xi32>
    %jit3A_379 = arith.constant 1 : i32
    %broadcast_in_dim3A_380 = vector.broadcast %jit3A_379 : i32 to vector<256x4096xi32>
    %select_n3A_381 = arith.select %eq3A_378, %broadcast_in_dim3A_380, %select_n3A_362 : vector<256x4096xi1>, vector<256x4096xi32>
    %jit3A_382 = arith.constant 0x7F800000 : f32
    %broadcast_in_dim3A_383 = vector.broadcast %jit3A_382 : f32 to vector<256x4096xf32>
    %select_n3A_384 = arith.select %eq3A_378, %broadcast_in_dim3A_383, %select_n3A_365 : vector<256x4096xi1>, vector<256x4096xf32>
    %reduce_min3A_385 = arith.constant dense<0x7F800000> : vector<256xf32>
    %reduce_min3A_386 = vector.multi_reduction <minimumf>, %select_n3A_384, %reduce_min3A_385 [1] : vector<256x4096xf32> to vector<256xf32>
    %broadcast_in_dim3A_387 = vector.shape_cast %reduce_min3A_386 : vector<256xf32> to vector<256x1xf32>
    %le3A_388 = vector.broadcast %broadcast_in_dim3A_387 : vector<256x1xf32> to vector<256x4096xf32>
    %le3A_389 = arith.cmpf ole, %select_n3A_384, %le3A_388 : vector<256x4096xf32>
    %jit3A_390 = arith.constant 4096 : i32
    %broadcast_in_dim3A_391 = vector.broadcast %jit3A_390 : i32 to vector<256x4096xi32>
    %select_n3A_392 = arith.select %le3A_389, %iota3A, %broadcast_in_dim3A_391 : vector<256x4096xi1>, vector<256x4096xi32>
    %reduce_min3A_393 = arith.constant dense<2147483647> : vector<256xi32>
    %reduce_min3A_394 = vector.multi_reduction <minsi>, %select_n3A_392, %reduce_min3A_393 [1] : vector<256x4096xi32> to vector<256xi32>
    %broadcast_in_dim3A_395 = vector.shape_cast %reduce_min3A_394 : vector<256xi32> to vector<256x1xi32>
    %eq3A_396 = vector.broadcast %broadcast_in_dim3A_395 : vector<256x1xi32> to vector<256x4096xi32>
    %eq3A_397 = arith.cmpi eq, %iota3A, %eq3A_396 : vector<256x4096xi32>
    %jit3A_398 = arith.constant 1 : i32
    %broadcast_in_dim3A_399 = vector.broadcast %jit3A_398 : i32 to vector<256x4096xi32>
    %select_n3A_400 = arith.select %eq3A_397, %broadcast_in_dim3A_399, %select_n3A_381 : vector<256x4096xi1>, vector<256x4096xi32>
    %jit3A_401 = arith.constant 0x7F800000 : f32
    %broadcast_in_dim3A_402 = vector.broadcast %jit3A_401 : f32 to vector<256x4096xf32>
    %select_n3A_403 = arith.select %eq3A_397, %broadcast_in_dim3A_402, %select_n3A_384 : vector<256x4096xi1>, vector<256x4096xf32>
    %reduce_min3A_404 = arith.constant dense<0x7F800000> : vector<256xf32>
    %reduce_min3A_405 = vector.multi_reduction <minimumf>, %select_n3A_403, %reduce_min3A_404 [1] : vector<256x4096xf32> to vector<256xf32>
    %broadcast_in_dim3A_406 = vector.shape_cast %reduce_min3A_405 : vector<256xf32> to vector<256x1xf32>
    %le3A_407 = vector.broadcast %broadcast_in_dim3A_406 : vector<256x1xf32> to vector<256x4096xf32>
    %le3A_408 = arith.cmpf ole, %select_n3A_403, %le3A_407 : vector<256x4096xf32>
    %jit3A_409 = arith.constant 4096 : i32
    %broadcast_in_dim3A_410 = vector.broadcast %jit3A_409 : i32 to vector<256x4096xi32>
    %select_n3A_411 = arith.select %le3A_408, %iota3A, %broadcast_in_dim3A_410 : vector<256x4096xi1>, vector<256x4096xi32>
    %reduce_min3A_412 = arith.constant dense<2147483647> : vector<256xi32>
    %reduce_min3A_413 = vector.multi_reduction <minsi>, %select_n3A_411, %reduce_min3A_412 [1] : vector<256x4096xi32> to vector<256xi32>
    %broadcast_in_dim3A_414 = vector.shape_cast %reduce_min3A_413 : vector<256xi32> to vector<256x1xi32>
    %eq3A_415 = vector.broadcast %broadcast_in_dim3A_414 : vector<256x1xi32> to vector<256x4096xi32>
    %eq3A_416 = arith.cmpi eq, %iota3A, %eq3A_415 : vector<256x4096xi32>
    %jit3A_417 = arith.constant 1 : i32
    %broadcast_in_dim3A_418 = vector.broadcast %jit3A_417 : i32 to vector<256x4096xi32>
    %select_n3A_419 = arith.select %eq3A_416, %broadcast_in_dim3A_418, %select_n3A_400 : vector<256x4096xi1>, vector<256x4096xi32>
    %jit3A_420 = arith.constant 0x7F800000 : f32
    %broadcast_in_dim3A_421 = vector.broadcast %jit3A_420 : f32 to vector<256x4096xf32>
    %select_n3A_422 = arith.select %eq3A_416, %broadcast_in_dim3A_421, %select_n3A_403 : vector<256x4096xi1>, vector<256x4096xf32>
    %reduce_min3A_423 = arith.constant dense<0x7F800000> : vector<256xf32>
    %reduce_min3A_424 = vector.multi_reduction <minimumf>, %select_n3A_422, %reduce_min3A_423 [1] : vector<256x4096xf32> to vector<256xf32>
    %broadcast_in_dim3A_425 = vector.shape_cast %reduce_min3A_424 : vector<256xf32> to vector<256x1xf32>
    %le3A_426 = vector.broadcast %broadcast_in_dim3A_425 : vector<256x1xf32> to vector<256x4096xf32>
    %le3A_427 = arith.cmpf ole, %select_n3A_422, %le3A_426 : vector<256x4096xf32>
    %jit3A_428 = arith.constant 4096 : i32
    %broadcast_in_dim3A_429 = vector.broadcast %jit3A_428 : i32 to vector<256x4096xi32>
    %select_n3A_430 = arith.select %le3A_427, %iota3A, %broadcast_in_dim3A_429 : vector<256x4096xi1>, vector<256x4096xi32>
    %reduce_min3A_431 = arith.constant dense<2147483647> : vector<256xi32>
    %reduce_min3A_432 = vector.multi_reduction <minsi>, %select_n3A_430, %reduce_min3A_431 [1] : vector<256x4096xi32> to vector<256xi32>
    %broadcast_in_dim3A_433 = vector.shape_cast %reduce_min3A_432 : vector<256xi32> to vector<256x1xi32>
    %eq3A_434 = vector.broadcast %broadcast_in_dim3A_433 : vector<256x1xi32> to vector<256x4096xi32>
    %eq3A_435 = arith.cmpi eq, %iota3A, %eq3A_434 : vector<256x4096xi32>
    %jit3A_436 = arith.constant 1 : i32
    %broadcast_in_dim3A_437 = vector.broadcast %jit3A_436 : i32 to vector<256x4096xi32>
    %select_n3A_438 = arith.select %eq3A_435, %broadcast_in_dim3A_437, %select_n3A_419 : vector<256x4096xi1>, vector<256x4096xi32>
    %jit3A_439 = arith.constant 0x7F800000 : f32
    %broadcast_in_dim3A_440 = vector.broadcast %jit3A_439 : f32 to vector<256x4096xf32>
    %select_n3A_441 = arith.select %eq3A_435, %broadcast_in_dim3A_440, %select_n3A_422 : vector<256x4096xi1>, vector<256x4096xf32>
    %reduce_min3A_442 = arith.constant dense<0x7F800000> : vector<256xf32>
    %reduce_min3A_443 = vector.multi_reduction <minimumf>, %select_n3A_441, %reduce_min3A_442 [1] : vector<256x4096xf32> to vector<256xf32>
    %broadcast_in_dim3A_444 = vector.shape_cast %reduce_min3A_443 : vector<256xf32> to vector<256x1xf32>
    %le3A_445 = vector.broadcast %broadcast_in_dim3A_444 : vector<256x1xf32> to vector<256x4096xf32>
    %le3A_446 = arith.cmpf ole, %select_n3A_441, %le3A_445 : vector<256x4096xf32>
    %jit3A_447 = arith.constant 4096 : i32
    %broadcast_in_dim3A_448 = vector.broadcast %jit3A_447 : i32 to vector<256x4096xi32>
    %select_n3A_449 = arith.select %le3A_446, %iota3A, %broadcast_in_dim3A_448 : vector<256x4096xi1>, vector<256x4096xi32>
    %reduce_min3A_450 = arith.constant dense<2147483647> : vector<256xi32>
    %reduce_min3A_451 = vector.multi_reduction <minsi>, %select_n3A_449, %reduce_min3A_450 [1] : vector<256x4096xi32> to vector<256xi32>
    %broadcast_in_dim3A_452 = vector.shape_cast %reduce_min3A_451 : vector<256xi32> to vector<256x1xi32>
    %eq3A_453 = vector.broadcast %broadcast_in_dim3A_452 : vector<256x1xi32> to vector<256x4096xi32>
    %eq3A_454 = arith.cmpi eq, %iota3A, %eq3A_453 : vector<256x4096xi32>
    %jit3A_455 = arith.constant 1 : i32
    %broadcast_in_dim3A_456 = vector.broadcast %jit3A_455 : i32 to vector<256x4096xi32>
    %select_n3A_457 = arith.select %eq3A_454, %broadcast_in_dim3A_456, %select_n3A_438 : vector<256x4096xi1>, vector<256x4096xi32>
    %jit3A_458 = arith.constant 0x7F800000 : f32
    %broadcast_in_dim3A_459 = vector.broadcast %jit3A_458 : f32 to vector<256x4096xf32>
    %select_n3A_460 = arith.select %eq3A_454, %broadcast_in_dim3A_459, %select_n3A_441 : vector<256x4096xi1>, vector<256x4096xf32>
    %reduce_min3A_461 = arith.constant dense<0x7F800000> : vector<256xf32>
    %reduce_min3A_462 = vector.multi_reduction <minimumf>, %select_n3A_460, %reduce_min3A_461 [1] : vector<256x4096xf32> to vector<256xf32>
    %broadcast_in_dim3A_463 = vector.shape_cast %reduce_min3A_462 : vector<256xf32> to vector<256x1xf32>
    %le3A_464 = vector.broadcast %broadcast_in_dim3A_463 : vector<256x1xf32> to vector<256x4096xf32>
    %le3A_465 = arith.cmpf ole, %select_n3A_460, %le3A_464 : vector<256x4096xf32>
    %jit3A_466 = arith.constant 4096 : i32
    %broadcast_in_dim3A_467 = vector.broadcast %jit3A_466 : i32 to vector<256x4096xi32>
    %select_n3A_468 = arith.select %le3A_465, %iota3A, %broadcast_in_dim3A_467 : vector<256x4096xi1>, vector<256x4096xi32>
    %reduce_min3A_469 = arith.constant dense<2147483647> : vector<256xi32>
    %reduce_min3A_470 = vector.multi_reduction <minsi>, %select_n3A_468, %reduce_min3A_469 [1] : vector<256x4096xi32> to vector<256xi32>
    %broadcast_in_dim3A_471 = vector.shape_cast %reduce_min3A_470 : vector<256xi32> to vector<256x1xi32>
    %eq3A_472 = vector.broadcast %broadcast_in_dim3A_471 : vector<256x1xi32> to vector<256x4096xi32>
    %eq3A_473 = arith.cmpi eq, %iota3A, %eq3A_472 : vector<256x4096xi32>
    %jit3A_474 = arith.constant 1 : i32
    %broadcast_in_dim3A_475 = vector.broadcast %jit3A_474 : i32 to vector<256x4096xi32>
    %select_n3A_476 = arith.select %eq3A_473, %broadcast_in_dim3A_475, %select_n3A_457 : vector<256x4096xi1>, vector<256x4096xi32>
    %jit3A_477 = arith.constant 0x7F800000 : f32
    %broadcast_in_dim3A_478 = vector.broadcast %jit3A_477 : f32 to vector<256x4096xf32>
    %select_n3A_479 = arith.select %eq3A_473, %broadcast_in_dim3A_478, %select_n3A_460 : vector<256x4096xi1>, vector<256x4096xf32>
    %reduce_min3A_480 = arith.constant dense<0x7F800000> : vector<256xf32>
    %reduce_min3A_481 = vector.multi_reduction <minimumf>, %select_n3A_479, %reduce_min3A_480 [1] : vector<256x4096xf32> to vector<256xf32>
    %broadcast_in_dim3A_482 = vector.shape_cast %reduce_min3A_481 : vector<256xf32> to vector<256x1xf32>
    %le3A_483 = vector.broadcast %broadcast_in_dim3A_482 : vector<256x1xf32> to vector<256x4096xf32>
    %le3A_484 = arith.cmpf ole, %select_n3A_479, %le3A_483 : vector<256x4096xf32>
    %jit3A_485 = arith.constant 4096 : i32
    %broadcast_in_dim3A_486 = vector.broadcast %jit3A_485 : i32 to vector<256x4096xi32>
    %select_n3A_487 = arith.select %le3A_484, %iota3A, %broadcast_in_dim3A_486 : vector<256x4096xi1>, vector<256x4096xi32>
    %reduce_min3A_488 = arith.constant dense<2147483647> : vector<256xi32>
    %reduce_min3A_489 = vector.multi_reduction <minsi>, %select_n3A_487, %reduce_min3A_488 [1] : vector<256x4096xi32> to vector<256xi32>
    %broadcast_in_dim3A_490 = vector.shape_cast %reduce_min3A_489 : vector<256xi32> to vector<256x1xi32>
    %eq3A_491 = vector.broadcast %broadcast_in_dim3A_490 : vector<256x1xi32> to vector<256x4096xi32>
    %eq3A_492 = arith.cmpi eq, %iota3A, %eq3A_491 : vector<256x4096xi32>
    %jit3A_493 = arith.constant 1 : i32
    %broadcast_in_dim3A_494 = vector.broadcast %jit3A_493 : i32 to vector<256x4096xi32>
    %select_n3A_495 = arith.select %eq3A_492, %broadcast_in_dim3A_494, %select_n3A_476 : vector<256x4096xi1>, vector<256x4096xi32>
    %jit3A_496 = arith.constant 0x7F800000 : f32
    %broadcast_in_dim3A_497 = vector.broadcast %jit3A_496 : f32 to vector<256x4096xf32>
    %select_n3A_498 = arith.select %eq3A_492, %broadcast_in_dim3A_497, %select_n3A_479 : vector<256x4096xi1>, vector<256x4096xf32>
    %reduce_min3A_499 = arith.constant dense<0x7F800000> : vector<256xf32>
    %reduce_min3A_500 = vector.multi_reduction <minimumf>, %select_n3A_498, %reduce_min3A_499 [1] : vector<256x4096xf32> to vector<256xf32>
    %broadcast_in_dim3A_501 = vector.shape_cast %reduce_min3A_500 : vector<256xf32> to vector<256x1xf32>
    %le3A_502 = vector.broadcast %broadcast_in_dim3A_501 : vector<256x1xf32> to vector<256x4096xf32>
    %le3A_503 = arith.cmpf ole, %select_n3A_498, %le3A_502 : vector<256x4096xf32>
    %jit3A_504 = arith.constant 4096 : i32
    %broadcast_in_dim3A_505 = vector.broadcast %jit3A_504 : i32 to vector<256x4096xi32>
    %select_n3A_506 = arith.select %le3A_503, %iota3A, %broadcast_in_dim3A_505 : vector<256x4096xi1>, vector<256x4096xi32>
    %reduce_min3A_507 = arith.constant dense<2147483647> : vector<256xi32>
    %reduce_min3A_508 = vector.multi_reduction <minsi>, %select_n3A_506, %reduce_min3A_507 [1] : vector<256x4096xi32> to vector<256xi32>
    %broadcast_in_dim3A_509 = vector.shape_cast %reduce_min3A_508 : vector<256xi32> to vector<256x1xi32>
    %eq3A_510 = vector.broadcast %broadcast_in_dim3A_509 : vector<256x1xi32> to vector<256x4096xi32>
    %eq3A_511 = arith.cmpi eq, %iota3A, %eq3A_510 : vector<256x4096xi32>
    %jit3A_512 = arith.constant 1 : i32
    %broadcast_in_dim3A_513 = vector.broadcast %jit3A_512 : i32 to vector<256x4096xi32>
    %select_n3A_514 = arith.select %eq3A_511, %broadcast_in_dim3A_513, %select_n3A_495 : vector<256x4096xi1>, vector<256x4096xi32>
    %jit3A_515 = arith.constant 0x7F800000 : f32
    %broadcast_in_dim3A_516 = vector.broadcast %jit3A_515 : f32 to vector<256x4096xf32>
    %select_n3A_517 = arith.select %eq3A_511, %broadcast_in_dim3A_516, %select_n3A_498 : vector<256x4096xi1>, vector<256x4096xf32>
    %reduce_min3A_518 = arith.constant dense<0x7F800000> : vector<256xf32>
    %reduce_min3A_519 = vector.multi_reduction <minimumf>, %select_n3A_517, %reduce_min3A_518 [1] : vector<256x4096xf32> to vector<256xf32>
    %broadcast_in_dim3A_520 = vector.shape_cast %reduce_min3A_519 : vector<256xf32> to vector<256x1xf32>
    %le3A_521 = vector.broadcast %broadcast_in_dim3A_520 : vector<256x1xf32> to vector<256x4096xf32>
    %le3A_522 = arith.cmpf ole, %select_n3A_517, %le3A_521 : vector<256x4096xf32>
    %jit3A_523 = arith.constant 4096 : i32
    %broadcast_in_dim3A_524 = vector.broadcast %jit3A_523 : i32 to vector<256x4096xi32>
    %select_n3A_525 = arith.select %le3A_522, %iota3A, %broadcast_in_dim3A_524 : vector<256x4096xi1>, vector<256x4096xi32>
    %reduce_min3A_526 = arith.constant dense<2147483647> : vector<256xi32>
    %reduce_min3A_527 = vector.multi_reduction <minsi>, %select_n3A_525, %reduce_min3A_526 [1] : vector<256x4096xi32> to vector<256xi32>
    %broadcast_in_dim3A_528 = vector.shape_cast %reduce_min3A_527 : vector<256xi32> to vector<256x1xi32>
    %eq3A_529 = vector.broadcast %broadcast_in_dim3A_528 : vector<256x1xi32> to vector<256x4096xi32>
    %eq3A_530 = arith.cmpi eq, %iota3A, %eq3A_529 : vector<256x4096xi32>
    %jit3A_531 = arith.constant 1 : i32
    %broadcast_in_dim3A_532 = vector.broadcast %jit3A_531 : i32 to vector<256x4096xi32>
    %select_n3A_533 = arith.select %eq3A_530, %broadcast_in_dim3A_532, %select_n3A_514 : vector<256x4096xi1>, vector<256x4096xi32>
    %jit3A_534 = arith.constant 0x7F800000 : f32
    %broadcast_in_dim3A_535 = vector.broadcast %jit3A_534 : f32 to vector<256x4096xf32>
    %select_n3A_536 = arith.select %eq3A_530, %broadcast_in_dim3A_535, %select_n3A_517 : vector<256x4096xi1>, vector<256x4096xf32>
    %reduce_min3A_537 = arith.constant dense<0x7F800000> : vector<256xf32>
    %reduce_min3A_538 = vector.multi_reduction <minimumf>, %select_n3A_536, %reduce_min3A_537 [1] : vector<256x4096xf32> to vector<256xf32>
    %broadcast_in_dim3A_539 = vector.shape_cast %reduce_min3A_538 : vector<256xf32> to vector<256x1xf32>
    %le3A_540 = vector.broadcast %broadcast_in_dim3A_539 : vector<256x1xf32> to vector<256x4096xf32>
    %le3A_541 = arith.cmpf ole, %select_n3A_536, %le3A_540 : vector<256x4096xf32>
    %jit3A_542 = arith.constant 4096 : i32
    %broadcast_in_dim3A_543 = vector.broadcast %jit3A_542 : i32 to vector<256x4096xi32>
    %select_n3A_544 = arith.select %le3A_541, %iota3A, %broadcast_in_dim3A_543 : vector<256x4096xi1>, vector<256x4096xi32>
    %reduce_min3A_545 = arith.constant dense<2147483647> : vector<256xi32>
    %reduce_min3A_546 = vector.multi_reduction <minsi>, %select_n3A_544, %reduce_min3A_545 [1] : vector<256x4096xi32> to vector<256xi32>
    %broadcast_in_dim3A_547 = vector.shape_cast %reduce_min3A_546 : vector<256xi32> to vector<256x1xi32>
    %eq3A_548 = vector.broadcast %broadcast_in_dim3A_547 : vector<256x1xi32> to vector<256x4096xi32>
    %eq3A_549 = arith.cmpi eq, %iota3A, %eq3A_548 : vector<256x4096xi32>
    %jit3A_550 = arith.constant 1 : i32
    %broadcast_in_dim3A_551 = vector.broadcast %jit3A_550 : i32 to vector<256x4096xi32>
    %select_n3A_552 = arith.select %eq3A_549, %broadcast_in_dim3A_551, %select_n3A_533 : vector<256x4096xi1>, vector<256x4096xi32>
    %jit3A_553 = arith.constant 0x7F800000 : f32
    %broadcast_in_dim3A_554 = vector.broadcast %jit3A_553 : f32 to vector<256x4096xf32>
    %select_n3A_555 = arith.select %eq3A_549, %broadcast_in_dim3A_554, %select_n3A_536 : vector<256x4096xi1>, vector<256x4096xf32>
    %reduce_min3A_556 = arith.constant dense<0x7F800000> : vector<256xf32>
    %reduce_min3A_557 = vector.multi_reduction <minimumf>, %select_n3A_555, %reduce_min3A_556 [1] : vector<256x4096xf32> to vector<256xf32>
    %broadcast_in_dim3A_558 = vector.shape_cast %reduce_min3A_557 : vector<256xf32> to vector<256x1xf32>
    %le3A_559 = vector.broadcast %broadcast_in_dim3A_558 : vector<256x1xf32> to vector<256x4096xf32>
    %le3A_560 = arith.cmpf ole, %select_n3A_555, %le3A_559 : vector<256x4096xf32>
    %jit3A_561 = arith.constant 4096 : i32
    %broadcast_in_dim3A_562 = vector.broadcast %jit3A_561 : i32 to vector<256x4096xi32>
    %select_n3A_563 = arith.select %le3A_560, %iota3A, %broadcast_in_dim3A_562 : vector<256x4096xi1>, vector<256x4096xi32>
    %reduce_min3A_564 = arith.constant dense<2147483647> : vector<256xi32>
    %reduce_min3A_565 = vector.multi_reduction <minsi>, %select_n3A_563, %reduce_min3A_564 [1] : vector<256x4096xi32> to vector<256xi32>
    %broadcast_in_dim3A_566 = vector.shape_cast %reduce_min3A_565 : vector<256xi32> to vector<256x1xi32>
    %eq3A_567 = vector.broadcast %broadcast_in_dim3A_566 : vector<256x1xi32> to vector<256x4096xi32>
    %eq3A_568 = arith.cmpi eq, %iota3A, %eq3A_567 : vector<256x4096xi32>
    %jit3A_569 = arith.constant 1 : i32
    %broadcast_in_dim3A_570 = vector.broadcast %jit3A_569 : i32 to vector<256x4096xi32>
    %select_n3A_571 = arith.select %eq3A_568, %broadcast_in_dim3A_570, %select_n3A_552 : vector<256x4096xi1>, vector<256x4096xi32>
    %jit3A_572 = arith.constant 0x7F800000 : f32
    %broadcast_in_dim3A_573 = vector.broadcast %jit3A_572 : f32 to vector<256x4096xf32>
    %select_n3A_574 = arith.select %eq3A_568, %broadcast_in_dim3A_573, %select_n3A_555 : vector<256x4096xi1>, vector<256x4096xf32>
    %reduce_min3A_575 = arith.constant dense<0x7F800000> : vector<256xf32>
    %reduce_min3A_576 = vector.multi_reduction <minimumf>, %select_n3A_574, %reduce_min3A_575 [1] : vector<256x4096xf32> to vector<256xf32>
    %broadcast_in_dim3A_577 = vector.shape_cast %reduce_min3A_576 : vector<256xf32> to vector<256x1xf32>
    %le3A_578 = vector.broadcast %broadcast_in_dim3A_577 : vector<256x1xf32> to vector<256x4096xf32>
    %le3A_579 = arith.cmpf ole, %select_n3A_574, %le3A_578 : vector<256x4096xf32>
    %jit3A_580 = arith.constant 4096 : i32
    %broadcast_in_dim3A_581 = vector.broadcast %jit3A_580 : i32 to vector<256x4096xi32>
    %select_n3A_582 = arith.select %le3A_579, %iota3A, %broadcast_in_dim3A_581 : vector<256x4096xi1>, vector<256x4096xi32>
    %reduce_min3A_583 = arith.constant dense<2147483647> : vector<256xi32>
    %reduce_min3A_584 = vector.multi_reduction <minsi>, %select_n3A_582, %reduce_min3A_583 [1] : vector<256x4096xi32> to vector<256xi32>
    %broadcast_in_dim3A_585 = vector.shape_cast %reduce_min3A_584 : vector<256xi32> to vector<256x1xi32>
    %eq3A_586 = vector.broadcast %broadcast_in_dim3A_585 : vector<256x1xi32> to vector<256x4096xi32>
    %eq3A_587 = arith.cmpi eq, %iota3A, %eq3A_586 : vector<256x4096xi32>
    %jit3A_588 = arith.constant 1 : i32
    %broadcast_in_dim3A_589 = vector.broadcast %jit3A_588 : i32 to vector<256x4096xi32>
    %select_n3A_590 = arith.select %eq3A_587, %broadcast_in_dim3A_589, %select_n3A_571 : vector<256x4096xi1>, vector<256x4096xi32>
    %jit3A_591 = arith.constant 0x7F800000 : f32
    %broadcast_in_dim3A_592 = vector.broadcast %jit3A_591 : f32 to vector<256x4096xf32>
    %select_n3A_593 = arith.select %eq3A_587, %broadcast_in_dim3A_592, %select_n3A_574 : vector<256x4096xi1>, vector<256x4096xf32>
    %reduce_min3A_594 = arith.constant dense<0x7F800000> : vector<256xf32>
    %reduce_min3A_595 = vector.multi_reduction <minimumf>, %select_n3A_593, %reduce_min3A_594 [1] : vector<256x4096xf32> to vector<256xf32>
    %broadcast_in_dim3A_596 = vector.shape_cast %reduce_min3A_595 : vector<256xf32> to vector<256x1xf32>
    %le3A_597 = vector.broadcast %broadcast_in_dim3A_596 : vector<256x1xf32> to vector<256x4096xf32>
    %le3A_598 = arith.cmpf ole, %select_n3A_593, %le3A_597 : vector<256x4096xf32>
    %jit3A_599 = arith.constant 4096 : i32
    %broadcast_in_dim3A_600 = vector.broadcast %jit3A_599 : i32 to vector<256x4096xi32>
    %select_n3A_601 = arith.select %le3A_598, %iota3A, %broadcast_in_dim3A_600 : vector<256x4096xi1>, vector<256x4096xi32>
    %reduce_min3A_602 = arith.constant dense<2147483647> : vector<256xi32>
    %reduce_min3A_603 = vector.multi_reduction <minsi>, %select_n3A_601, %reduce_min3A_602 [1] : vector<256x4096xi32> to vector<256xi32>
    %broadcast_in_dim3A_604 = vector.shape_cast %reduce_min3A_603 : vector<256xi32> to vector<256x1xi32>
    %eq3A_605 = vector.broadcast %broadcast_in_dim3A_604 : vector<256x1xi32> to vector<256x4096xi32>
    %eq3A_606 = arith.cmpi eq, %iota3A, %eq3A_605 : vector<256x4096xi32>
    %jit3A_607 = arith.constant 1 : i32
    %broadcast_in_dim3A_608 = vector.broadcast %jit3A_607 : i32 to vector<256x4096xi32>
    %select_n3A_609 = arith.select %eq3A_606, %broadcast_in_dim3A_608, %select_n3A_590 : vector<256x4096xi1>, vector<256x4096xi32>
    %jit3A_610 = arith.constant 0x7F800000 : f32
    %broadcast_in_dim3A_611 = vector.broadcast %jit3A_610 : f32 to vector<256x4096xf32>
    %select_n3A_612 = arith.select %eq3A_606, %broadcast_in_dim3A_611, %select_n3A_593 : vector<256x4096xi1>, vector<256x4096xf32>
    %reduce_min3A_613 = arith.constant dense<0x7F800000> : vector<256xf32>
    %reduce_min3A_614 = vector.multi_reduction <minimumf>, %select_n3A_612, %reduce_min3A_613 [1] : vector<256x4096xf32> to vector<256xf32>
    %broadcast_in_dim3A_615 = vector.shape_cast %reduce_min3A_614 : vector<256xf32> to vector<256x1xf32>
    %le3A_616 = vector.broadcast %broadcast_in_dim3A_615 : vector<256x1xf32> to vector<256x4096xf32>
    %le3A_617 = arith.cmpf ole, %select_n3A_612, %le3A_616 : vector<256x4096xf32>
    %jit3A_618 = arith.constant 4096 : i32
    %broadcast_in_dim3A_619 = vector.broadcast %jit3A_618 : i32 to vector<256x4096xi32>
    %select_n3A_620 = arith.select %le3A_617, %iota3A, %broadcast_in_dim3A_619 : vector<256x4096xi1>, vector<256x4096xi32>
    %reduce_min3A_621 = arith.constant dense<2147483647> : vector<256xi32>
    %reduce_min3A_622 = vector.multi_reduction <minsi>, %select_n3A_620, %reduce_min3A_621 [1] : vector<256x4096xi32> to vector<256xi32>
    %broadcast_in_dim3A_623 = vector.shape_cast %reduce_min3A_622 : vector<256xi32> to vector<256x1xi32>
    %eq3A_624 = vector.broadcast %broadcast_in_dim3A_623 : vector<256x1xi32> to vector<256x4096xi32>
    %eq3A_625 = arith.cmpi eq, %iota3A, %eq3A_624 : vector<256x4096xi32>
    %jit3A_626 = arith.constant 1 : i32
    %broadcast_in_dim3A_627 = vector.broadcast %jit3A_626 : i32 to vector<256x4096xi32>
    %select_n3A_628 = arith.select %eq3A_625, %broadcast_in_dim3A_627, %select_n3A_609 : vector<256x4096xi1>, vector<256x4096xi32>
    %convert_element_type3A_629 = arith.trunci %select_n3A_628 : vector<256x4096xi32> to vector<256x4096xi8>
    %swap3A = arith.constant 0 : index
    %swap3A_630 = arith.constant 0 : index
    %swap3A_631 = arith.constant 0 : index
    %swap3A_632 = vector.load %arg5[%swap3A, %swap3A_630, %swap3A_631] : memref<1x256x4096xi8, #tpu.memory_space<vmem>>, vector<1x256x4096xi8>
    %swap3A_633 = vector.shape_cast %swap3A_632 : vector<1x256x4096xi8> to vector<256x4096xi8>
    %swap3A_634 = vector.shape_cast %convert_element_type3A_629 : vector<256x4096xi8> to vector<1x256x4096xi8>
    tpu.vector_store %arg5[%swap3A, %swap3A_630, %swap3A_631], %swap3A_634 {strides = array<i32>} : memref<1x256x4096xi8, #tpu.memory_space<vmem>>, vector<1x256x4096xi8>,
    return
  }
  func.func @transform_0(%arg0: i32, %arg1: i32) -> (i32, i32, i32) {
    %c0_i32 = arith.constant 0 : i32
    %c0_i32_0 = arith.constant 0 : i32
    %c0_i32_1 = arith.constant 0 : i32
    return %arg0, %c0_i32, %c0_i32_0 : i32, i32, i32
  }
  func.func @transform_1(%arg0: i32, %arg1: i32) -> (i32, i32, i32) {
    %c0_i32 = arith.constant 0 : i32
    %c0_i32_0 = arith.constant 0 : i32
    return %arg0, %arg1, %c0_i32 : i32, i32, i32
  }
  func.func @transform_2(%arg0: i32, %arg1: i32) -> (i32, i32, i32) {
    %c0_i32 = arith.constant 0 : i32
    %c0_i32_0 = arith.constant 0 : i32
    %c0_i32_1 = arith.constant 0 : i32
    return %arg0, %c0_i32, %c0_i32_0 : i32, i32, i32
  }
  func.func @transform_3(%arg0: i32, %arg1: i32) -> (i32, i32, i32) {
    %c0_i32 = arith.constant 0 : i32
    %c0_i32_0 = arith.constant 0 : i32
    return %arg0, %arg1, %c0_i32 : i32, i32, i32
  }
}

module attributes {stable_mosaic.version = 14 : i64} {
  func.func @_attn_body(%arg0: i32, %arg1: i32, %arg2: i32, %arg3: memref<1x1x4096x64xbf16, #tpu.memory_space<vmem>>, %arg4: memref<1x1x4096x64xbf16, #tpu.memory_space<vmem>>, %arg5: memref<1x1x4096x64xbf16, #tpu.memory_space<vmem>>, %arg6: memref<1x256x4096xi8, #tpu.memory_space<vmem>>, %arg7: memref<1x256x1xi32, #tpu.memory_space<vmem>>, %arg8: memref<1x64x128xf32, #tpu.memory_space<vmem>>, %arg9: memref<1x1x128xf32, #tpu.memory_space<vmem>>, %arg10: memref<1x128x128xf32, #tpu.memory_space<vmem>>, %arg11: memref<1x1x128xf32, #tpu.memory_space<vmem>>, %arg12: memref<1x1x256x128xf32, #tpu.memory_space<vmem>>) attributes {dimension_semantics = [#tpu.dimension_semantics<arbitrary>, #tpu.dimension_semantics<arbitrary>, #tpu.dimension_semantics<arbitrary>], iteration_bounds = array<i64: 4, 7, 4>, scalar_prefetch = 0 : i64, scratch_operands = 0 : i64, tpu.core_type = #tpu.core_type<tc>, window_params = [{transform_indices = @transform_0, window_bounds = array<i64: 1, 1, 4096, 64>}, {transform_indices = @transform_1, window_bounds = array<i64: 1, 1, 4096, 64>}, {transform_indices = @transform_2, window_bounds = array<i64: 1, 1, 4096, 64>}, {transform_indices = @transform_3, window_bounds = array<i64: 1, 256, 4096>}, {transform_indices = @transform_4, window_bounds = array<i64: 1, 256, 1>}, {transform_indices = @transform_5, window_bounds = array<i64: 1, 64, 128>}, {transform_indices = @transform_6, window_bounds = array<i64: 1, 1, 128>}, {transform_indices = @transform_7, window_bounds = array<i64: 1, 128, 128>}, {transform_indices = @transform_8, window_bounds = array<i64: 1, 1, 128>}, {transform_indices = @transform_9, window_bounds = array<i64: 1, 1, 256, 128>}]} {
    %get3A = arith.constant 0 : index
    %get3A_0 = arith.constant 0 : index
    %get3A_1 = arith.constant 0 : index
    %get3A_2 = vector.load %arg7[%get3A, %get3A_0, %get3A_1] : memref<1x256x1xi32, #tpu.memory_space<vmem>>, vector<1x256x1xi32>
    %get3A_3 = vector.shape_cast %get3A_2 : vector<1x256x1xi32> to vector<256x1xi32>
    %iota3A = tpu.iota {dimensions = array<i32: 1>} : vector<256x4096xi32>
    %eq3A = vector.broadcast %get3A_3 : vector<256x1xi32> to vector<256x4096xi32>
    %eq3A_4 = arith.cmpi eq, %iota3A, %eq3A : vector<256x4096xi32>
    %convert_element_type3A = arith.extui %eq3A_4 : vector<256x4096xi1> to vector<256x4096xi32>
    %convert_element_type3A_5 = arith.sitofp %convert_element_type3A : vector<256x4096xi32> to vector<256x4096xf32>
    %get3A_6 = arith.constant 0 : index
    %get3A_7 = arith.constant 0 : index
    %get3A_8 = arith.constant 0 : index
    %get3A_9 = arith.constant 0 : index
    %get3A_10 = vector.load %arg3[%get3A_6, %get3A_7, %get3A_8, %get3A_9] : memref<1x1x4096x64xbf16, #tpu.memory_space<vmem>>, vector<1x1x4096x64xbf16>
    %get3A_11 = vector.shape_cast %get3A_10 : vector<1x1x4096x64xbf16> to vector<4096x64xbf16>
    %convert_element_type3A_12 = arith.extf %get3A_11 : vector<4096x64xbf16> to vector<4096x64xf32>
    %dot_general3A = arith.constant dense<0.000000e+00> : vector<256x64xf32>
    %dot_general3A_13 = tpu.matmul %convert_element_type3A_5, %convert_element_type3A_12, %dot_general3A {dimension_numbers = #tpu.dot_dimension_numbers<[1], [0], [0], [1], [0, 0, 1, 1], [], []>, precision = #tpu.contract_precision<fp32>, transpose_lhs_hint = false} : vector<256x4096xf32>, vector<4096x64xf32>, vector<256x64xf32> -> vector<256x64xf32>
    %get3A_14 = arith.constant 0 : index
    %get3A_15 = arith.constant 0 : index
    %get3A_16 = arith.constant 0 : index
    %get3A_17 = arith.constant 0 : index
    %get3A_18 = vector.load %arg4[%get3A_14, %get3A_15, %get3A_16, %get3A_17] : memref<1x1x4096x64xbf16, #tpu.memory_space<vmem>>, vector<1x1x4096x64xbf16>
    %get3A_19 = vector.shape_cast %get3A_18 : vector<1x1x4096x64xbf16> to vector<4096x64xbf16>
    %convert_element_type3A_20 = arith.extf %get3A_19 : vector<4096x64xbf16> to vector<4096x64xf32>
    %dot_general3A_21 = arith.constant dense<0.000000e+00> : vector<256x4096xf32>
    %dot_general3A_22 = tpu.matmul %dot_general3A_13, %convert_element_type3A_20, %dot_general3A_21 {dimension_numbers = #tpu.dot_dimension_numbers<[1], [1], [0], [0], [0, 0, 1, 0], [], []>, precision = #tpu.contract_precision<fp32>, transpose_lhs_hint = false} : vector<256x64xf32>, vector<4096x64xf32>, vector<256x4096xf32> -> vector<256x4096xf32>
    %mul3A = arith.constant 1.250000e-01 : f32
    %mul3A_23 = vector.broadcast %mul3A : f32 to vector<256x4096xf32>
    %mul3A_24 = arith.mulf %dot_general3A_22, %mul3A_23 : vector<256x4096xf32>
    %get3A_25 = arith.constant 0 : index
    %get3A_26 = arith.constant 0 : index
    %get3A_27 = arith.constant 0 : index
    %get3A_28 = vector.load %arg6[%get3A_25, %get3A_26, %get3A_27] : memref<1x256x4096xi8, #tpu.memory_space<vmem>>, vector<1x256x4096xi8>
    %get3A_29 = vector.shape_cast %get3A_28 : vector<1x256x4096xi8> to vector<256x4096xi8>
    %ne3A = arith.constant 0 : i8
    %ne3A_30 = vector.broadcast %ne3A : i8 to vector<256x4096xi8>
    %ne3A_31 = arith.cmpi ne, %get3A_29, %ne3A_30 : vector<256x4096xi8>
    %jit3A = arith.constant -1.000000e+30 : f32
    %broadcast_in_dim3A = vector.broadcast %jit3A : f32 to vector<256x4096xf32>
    %select_n3A = arith.select %ne3A_31, %mul3A_24, %broadcast_in_dim3A : vector<256x4096xi1>, vector<256x4096xf32>
    %reduce_max3A = arith.constant dense<0xFF800000> : vector<256xf32>
    %reduce_max3A_32 = vector.multi_reduction <maximumf>, %select_n3A, %reduce_max3A [1] : vector<256x4096xf32> to vector<256xf32>
    %broadcast_in_dim3A_33 = vector.shape_cast %reduce_max3A_32 : vector<256xf32> to vector<256x1xf32>
    %sub3A = vector.broadcast %broadcast_in_dim3A_33 : vector<256x1xf32> to vector<256x4096xf32>
    %sub3A_34 = arith.subf %mul3A_24, %sub3A : vector<256x4096xf32>
    %exp3A = math.exp %sub3A_34 : vector<256x4096xf32>
    %jit3A_35 = arith.constant 0.000000e+00 : f32
    %broadcast_in_dim3A_36 = vector.broadcast %jit3A_35 : f32 to vector<256x4096xf32>
    %select_n3A_37 = arith.select %ne3A_31, %exp3A, %broadcast_in_dim3A_36 : vector<256x4096xi1>, vector<256x4096xf32>
    %reduce_sum3A = arith.constant dense<0.000000e+00> : vector<256xf32>
    %reduce_sum3A_38 = vector.multi_reduction <add>, %select_n3A_37, %reduce_sum3A [1] : vector<256x4096xf32> to vector<256xf32>
    %broadcast_in_dim3A_39 = vector.shape_cast %reduce_sum3A_38 : vector<256xf32> to vector<256x1xf32>
    %div3A = vector.broadcast %broadcast_in_dim3A_39 : vector<256x1xf32> to vector<256x4096xf32>
    %div3A_40 = arith.divf %select_n3A_37, %div3A : vector<256x4096xf32>
    %convert_element_type3A_41 = arith.truncf %div3A_40 : vector<256x4096xf32> to vector<256x4096xbf16>
    %convert_element_type3A_42 = arith.extf %convert_element_type3A_41 : vector<256x4096xbf16> to vector<256x4096xf32>
    %get3A_43 = arith.constant 0 : index
    %get3A_44 = arith.constant 0 : index
    %get3A_45 = arith.constant 0 : index
    %get3A_46 = arith.constant 0 : index
    %get3A_47 = vector.load %arg5[%get3A_43, %get3A_44, %get3A_45, %get3A_46] : memref<1x1x4096x64xbf16, #tpu.memory_space<vmem>>, vector<1x1x4096x64xbf16>
    %get3A_48 = vector.shape_cast %get3A_47 : vector<1x1x4096x64xbf16> to vector<4096x64xbf16>
    %convert_element_type3A_49 = arith.extf %get3A_48 : vector<4096x64xbf16> to vector<4096x64xf32>
    %dot_general3A_50 = arith.constant dense<0.000000e+00> : vector<256x64xf32>
    %dot_general3A_51 = tpu.matmul %convert_element_type3A_42, %convert_element_type3A_49, %dot_general3A_50 {dimension_numbers = #tpu.dot_dimension_numbers<[1], [0], [0], [1], [0, 0, 1, 1], [], []>, precision = #tpu.contract_precision<fp32>, transpose_lhs_hint = false} : vector<256x4096xf32>, vector<4096x64xf32>, vector<256x64xf32> -> vector<256x64xf32>
    %convert_element_type3A_52 = arith.truncf %dot_general3A_51 : vector<256x64xf32> to vector<256x64xbf16>
    %convert_element_type3A_53 = arith.extf %convert_element_type3A_52 : vector<256x64xbf16> to vector<256x64xf32>
    %get3A_54 = arith.constant 0 : index
    %get3A_55 = arith.constant 0 : index
    %get3A_56 = arith.constant 0 : index
    %get3A_57 = vector.load %arg8[%get3A_54, %get3A_55, %get3A_56] : memref<1x64x128xf32, #tpu.memory_space<vmem>>, vector<1x64x128xf32>
    %get3A_58 = vector.shape_cast %get3A_57 : vector<1x64x128xf32> to vector<64x128xf32>
    %convert_element_type3A_59 = arith.truncf %get3A_58 : vector<64x128xf32> to vector<64x128xbf16>
    %convert_element_type3A_60 = arith.extf %convert_element_type3A_59 : vector<64x128xbf16> to vector<64x128xf32>
    %dot_general3A_61 = arith.constant dense<0.000000e+00> : vector<256x128xf32>
    %dot_general3A_62 = tpu.matmul %convert_element_type3A_53, %convert_element_type3A_60, %dot_general3A_61 {dimension_numbers = #tpu.dot_dimension_numbers<[1], [0], [0], [1], [0, 0, 1, 1], [], []>, precision = #tpu.contract_precision<fp32>, transpose_lhs_hint = false} : vector<256x64xf32>, vector<64x128xf32>, vector<256x128xf32> -> vector<256x128xf32>
    %get3A_63 = arith.constant 0 : index
    %get3A_64 = arith.constant 0 : index
    %get3A_65 = arith.constant 0 : index
    %get3A_66 = vector.load %arg9[%get3A_63, %get3A_64, %get3A_65] : memref<1x1x128xf32, #tpu.memory_space<vmem>>, vector<1x1x128xf32>
    %get3A_67 = vector.shape_cast %get3A_66 : vector<1x1x128xf32> to vector<1x128xf32>
    %add3A = vector.broadcast %get3A_67 : vector<1x128xf32> to vector<256x128xf32>
    %add3A_68 = arith.addf %dot_general3A_62, %add3A : vector<256x128xf32>
    %max3A = arith.constant 0.000000e+00 : f32
    %max3A_69 = vector.broadcast %max3A : f32 to vector<256x128xf32>
    %max3A_70 = arith.maximumf %add3A_68, %max3A_69 : vector<256x128xf32>
    %convert_element_type3A_71 = arith.truncf %max3A_70 : vector<256x128xf32> to vector<256x128xbf16>
    %convert_element_type3A_72 = arith.extf %convert_element_type3A_71 : vector<256x128xbf16> to vector<256x128xf32>
    %get3A_73 = arith.constant 0 : index
    %get3A_74 = arith.constant 0 : index
    %get3A_75 = arith.constant 0 : index
    %get3A_76 = vector.load %arg10[%get3A_73, %get3A_74, %get3A_75] : memref<1x128x128xf32, #tpu.memory_space<vmem>>, vector<1x128x128xf32>
    %get3A_77 = vector.shape_cast %get3A_76 : vector<1x128x128xf32> to vector<128x128xf32>
    %convert_element_type3A_78 = arith.truncf %get3A_77 : vector<128x128xf32> to vector<128x128xbf16>
    %convert_element_type3A_79 = arith.extf %convert_element_type3A_78 : vector<128x128xbf16> to vector<128x128xf32>
    %dot_general3A_80 = arith.constant dense<0.000000e+00> : vector<256x128xf32>
    %dot_general3A_81 = tpu.matmul %convert_element_type3A_72, %convert_element_type3A_79, %dot_general3A_80 {dimension_numbers = #tpu.dot_dimension_numbers<[1], [0], [0], [1], [0, 0, 1, 1], [], []>, precision = #tpu.contract_precision<fp32>, transpose_lhs_hint = false} : vector<256x128xf32>, vector<128x128xf32>, vector<256x128xf32> -> vector<256x128xf32>
    %get3A_82 = arith.constant 0 : index
    %get3A_83 = arith.constant 0 : index
    %get3A_84 = arith.constant 0 : index
    %get3A_85 = vector.load %arg11[%get3A_82, %get3A_83, %get3A_84] : memref<1x1x128xf32, #tpu.memory_space<vmem>>, vector<1x1x128xf32>
    %get3A_86 = vector.shape_cast %get3A_85 : vector<1x1x128xf32> to vector<1x128xf32>
    %add3A_87 = vector.broadcast %get3A_86 : vector<1x128xf32> to vector<256x128xf32>
    %add3A_88 = arith.addf %dot_general3A_81, %add3A_87 : vector<256x128xf32>
    %max3A_89 = arith.constant 0.000000e+00 : f32
    %max3A_90 = vector.broadcast %max3A_89 : f32 to vector<256x128xf32>
    %max3A_91 = arith.maximumf %add3A_88, %max3A_90 : vector<256x128xf32>
    %swap3A = arith.constant 0 : index
    %swap3A_92 = arith.constant 0 : index
    %swap3A_93 = arith.constant 0 : index
    %swap3A_94 = arith.constant 0 : index
    %swap3A_95 = vector.load %arg12[%swap3A, %swap3A_92, %swap3A_93, %swap3A_94] : memref<1x1x256x128xf32, #tpu.memory_space<vmem>>, vector<1x1x256x128xf32>
    %swap3A_96 = vector.shape_cast %swap3A_95 : vector<1x1x256x128xf32> to vector<256x128xf32>
    %swap3A_97 = vector.shape_cast %max3A_91 : vector<256x128xf32> to vector<1x1x256x128xf32>
    tpu.vector_store %arg12[%swap3A, %swap3A_92, %swap3A_93, %swap3A_94], %swap3A_97 {strides = array<i32>} : memref<1x1x256x128xf32, #tpu.memory_space<vmem>>, vector<1x1x256x128xf32>,
    return
  }
  func.func @transform_0(%arg0: i32, %arg1: i32, %arg2: i32) -> (i32, i32, i32, i32) {
    %c0_i32 = arith.constant 0 : i32
    %c0_i32_0 = arith.constant 0 : i32
    %c0_i32_1 = arith.constant 0 : i32
    return %arg1, %arg0, %c0_i32, %c0_i32_0 : i32, i32, i32, i32
  }
  func.func @transform_1(%arg0: i32, %arg1: i32, %arg2: i32) -> (i32, i32, i32, i32) {
    %c0_i32 = arith.constant 0 : i32
    %c0_i32_0 = arith.constant 0 : i32
    %c0_i32_1 = arith.constant 0 : i32
    return %arg1, %arg0, %c0_i32, %c0_i32_0 : i32, i32, i32, i32
  }
  func.func @transform_2(%arg0: i32, %arg1: i32, %arg2: i32) -> (i32, i32, i32, i32) {
    %c0_i32 = arith.constant 0 : i32
    %c0_i32_0 = arith.constant 0 : i32
    %c0_i32_1 = arith.constant 0 : i32
    return %arg1, %arg0, %c0_i32, %c0_i32_0 : i32, i32, i32, i32
  }
  func.func @transform_3(%arg0: i32, %arg1: i32, %arg2: i32) -> (i32, i32, i32) {
    %c0_i32 = arith.constant 0 : i32
    %c0_i32_0 = arith.constant 0 : i32
    return %arg0, %arg2, %c0_i32 : i32, i32, i32
  }
  func.func @transform_4(%arg0: i32, %arg1: i32, %arg2: i32) -> (i32, i32, i32) {
    %c0_i32 = arith.constant 0 : i32
    %c0_i32_0 = arith.constant 0 : i32
    return %arg0, %arg2, %c0_i32 : i32, i32, i32
  }
  func.func @transform_5(%arg0: i32, %arg1: i32, %arg2: i32) -> (i32, i32, i32) {
    %c0_i32 = arith.constant 0 : i32
    %c0_i32_0 = arith.constant 0 : i32
    %c0_i32_1 = arith.constant 0 : i32
    return %arg1, %c0_i32, %c0_i32_0 : i32, i32, i32
  }
  func.func @transform_6(%arg0: i32, %arg1: i32, %arg2: i32) -> (i32, i32, i32) {
    %c0_i32 = arith.constant 0 : i32
    %c0_i32_0 = arith.constant 0 : i32
    %c0_i32_1 = arith.constant 0 : i32
    return %arg1, %c0_i32, %c0_i32_0 : i32, i32, i32
  }
  func.func @transform_7(%arg0: i32, %arg1: i32, %arg2: i32) -> (i32, i32, i32) {
    %c0_i32 = arith.constant 0 : i32
    %c0_i32_0 = arith.constant 0 : i32
    %c0_i32_1 = arith.constant 0 : i32
    return %arg1, %c0_i32, %c0_i32_0 : i32, i32, i32
  }
  func.func @transform_8(%arg0: i32, %arg1: i32, %arg2: i32) -> (i32, i32, i32) {
    %c0_i32 = arith.constant 0 : i32
    %c0_i32_0 = arith.constant 0 : i32
    %c0_i32_1 = arith.constant 0 : i32
    return %arg1, %c0_i32, %c0_i32_0 : i32, i32, i32
  }
  func.func @transform_9(%arg0: i32, %arg1: i32, %arg2: i32) -> (i32, i32, i32, i32) {
    %c0_i32 = arith.constant 0 : i32
    %c0_i32_0 = arith.constant 0 : i32
    return %arg1, %arg0, %arg2, %c0_i32 : i32, i32, i32, i32
  }
}

</mosaic_0001>

<sc_bundles>
// kernel: gather_offload_async_start
scs
__scs_entry_jumppad:
0x0: {  	(pc) =	sbr.rel $0x88, $3  }
0x1: {  	(tag) =	ssettag $0x0;
	lr =	simm.s32 $0x1  }
0x2: {  	[smem:$0x3F69] =	sst lr;
	_ =	strace $0xD0000000  }
0x3: {  	_ = 	snop  }
0x4: {  	_ = 	snop  }
0x5: {  	_ = 	snop  }
0x6: {  	_ = 	snop  }
0x7: {  	_ = 	snop  }
__scs_overlays_trampoline_lowered:
0x8: {  	[smem:$0x3F78] =	sst s0  }
0x9: {  	[smem:$0x3F79] =	sst s1  }
0xa: {  	[smem:$0x3F7A] =	sst s2  }
0xb: {  	[smem:$0x3F7B] =	sst s3  }
0xc: {  	[smem:$0x3F7C] =	sst s4  }
0xd: {  	[smem:$0x3F7D] =	sst s5  }
0xe: {  	[smem:$0x3F7E] =	sst s6  }
0xf: {  	[smem:$0x3F7F] =	sst s7  }
0x10: {  	[smem:$0x3F80] =	sst s8  }
0x11: {  	[smem:$0x3F81] =	sst s9;
	s0 =	simm.s32 @!p0 $0x0  }
0x12: {  	s1 =	sld [smem:$0x3F67];
	s0 =	simm.s32 @p0 $0x1  }
0x13: {  	[smem:$0x3F82] =	sst s0;
	s0 =	simm.s32 @!p1 $0x0  }
0x14: {  	s2 =	sld [smem:$0x3F66];
	s0 =	simm.s32 @p1 $0x1  }
0x15: {  	[smem:$0x3F83] =	sst s0;
	s0 =	simm.s32 @!p2 $0x0  }
0x16: {  	s3 =	sld [smem:$0x3FDB];
	s0 =	simm.s32 @p2 $0x1  }
0x17: {  	s4 =	simm.s32 $0x1BF5;
	[smem:$0x3F85] =	sst s0  }
0x18: {  	s0 =	sld [smem:$0x3F68];
	_ =	swait.ge [sflag:s4], $0x0  }
0x19: {  	s7 =	sld [smem:$0x3F69]  }
0x1a: {  	s8 =	sadd.s32 $0xFFFFE003, lr  }
0x1b: {  	s9 =	sadd.s32 $0xFFFFFEF7, lr;
	s5 =	simm.s32 $0xFFFFFFFF;
	p2 =	slt.u32 s8, $0xFFFFF086  }
0x1c: {  	p1 =	slt.u32 s9, $0xF7A;
	s5 =	simm.s32 @!p2 $0x0  }
0x1d: {  	s5 =	simm.s32 @p1 $0x1;
	p0 =	seq.s32 s7, s2  }
0x1e: {  	s7 =	smul.u32 @!p0 $0xF7A, s2;
	p2 =	seq.s32 @!p0 s5, $0x0  }
0x1f: {  	s9 =	smul.u32 $0xF7A, s1;
	s8 =	simm.s32 @!p0 $0x1BF5;
	p2 =	por !p2, p0  }
0x20: {  	[sflag:s8] =	ssyncset.s32 @!p0 $0xFFFFF086;
	s6 =	sadd.s32 @!p0 s3, s7;
	s7 =	simm.s32 @!p0 $0x108  }
0x21: {  	s3 =	sadd.s32 s3, s9;
	s6 =	sadd.s32 @!p0 $0x88, s6;
	s7 =	simm.s32 @p2 $0x1082  }
0x22: {  	[simem:s7], [sflag:s8] =	dma.local @!p0 [hbm:s6], $0xF7A  }
0x23: {  	s9 =	sor.u32 $0xD0000000, s2;
	s6 =	simm.s32 $0x108;
	_ =	swait.ge @!p0 [sflag:s8], $0x0  }
0x24: {  	s3 =	sadd.s32 $0x88, s3;
	s6 =	simm.s32 @!p1 $0x1082;
	[sflag:s4] =	ssyncset.s32 $0xFFFFF086  }
0x25: {  	[simem:s6], [sflag:s4] =	dma.local [hbm:s3], $0xF7A  }
0x26: {  	[smem:$0x3F69] =	sst s1;
	(tag) =	ssettag s2;
	_ =	strace s9  }
0x27: {  	s1 =	sld [smem:$0x3F79]  }
0x28: {  	s2 =	sld [smem:$0x3F7A]  }
0x29: {  	s4 =	sld [smem:$0x3F7C]  }
0x2a: {  	p0 =	seq.s32 s5, $0x0;
	s5 =	sld [smem:$0x3F7D]  }
0x2b: {  	s6 =	sld [smem:$0x3F7E]  }
0x2c: {  	s7 =	sld [smem:$0x3F7F]  }
0x2d: {  	s3 =	simm.s32 $0x108;
	s8 =	sld [smem:$0x3F80]  }
0x2e: {  	s3 =	simm.s32 @!p0 $0x1082;
	s9 =	sld [smem:$0x3F81]  }
0x2f: {  	lr =	sadd.s32 s0, s3;
	s0 =	sld [smem:$0x3F78]  }
0x30: {  	s3 =	sld [smem:$0x3F7B]  }
0x31: {  	[smem:$0x3F84] =	sst s10  }
0x32: {  	s10 =	sld [smem:$0x3F82];
	_ =	sdelay $0x3  }
0x33: {  	p0 =	seq.s32 s10, $0x1;
	s10 =	sld [smem:$0x3F84];
	_ =	sdelay $0x3  }
0x34: {  	[smem:$0x3F84] =	sst s10  }
0x35: {  	s10 =	sld [smem:$0x3F83];
	_ =	sdelay $0x3  }
0x36: {  	p1 =	seq.s32 s10, $0x1;
	s10 =	sld [smem:$0x3F84];
	_ =	sdelay $0x3  }
0x37: {  	[smem:$0x3F84] =	sst s10  }
0x38: {  	s10 =	sld [smem:$0x3F85]  }
0x39: {  	_ = 	snop;
	(pc) =	sbr.ind lr, $3  }
0x3a: {  	_ = 	snop  }
0x3b: {  	_ = 	snop  }
0x3c: {  	p2 =	seq.s32 s10, $0x1;
	s10 =	sld [smem:$0x3F84]  }
0x3d: {  	_ =	shalt  }
0x3e: {  	_ =	shalt  }
0x3f: {  	_ =	shalt  }
0x40: {  	_ =	shalt  }
0x41: {  	_ =	shalt  }
0x42: {  	_ =	shalt  }
0x43: {  	_ =	shalt  }
0x44: {  	_ =	shalt  }
0x45: {  	_ =	shalt  }
0x46: {  	_ =	shalt  }
0x47: {  	_ =	shalt  }
0x48: {  	_ =	shalt  }
0x49: {  	_ =	shalt  }
0x4a: {  	_ =	shalt  }
0x4b: {  	_ =	shalt  }
0x4c: {  	_ =	shalt  }
0x4d: {  	_ =	shalt  }
0x4e: {  	_ =	shalt  }
0x4f: {  	_ =	shalt  }
0x50: {  	_ =	shalt  }
0x51: {  	_ =	shalt  }
0x52: {  	_ =	shalt  }
0x53: {  	_ =	shalt  }
0x54: {  	_ =	shalt  }
0x55: {  	_ =	shalt  }
0x56: {  	_ =	shalt  }
0x57: {  	_ =	shalt  }
0x58: {  	_ =	shalt  }
0x59: {  	_ =	shalt  }
0x5a: {  	_ =	shalt  }
0x5b: {  	_ =	shalt  }
0x5c: {  	_ =	shalt  }
0x5d: {  	_ =	shalt  }
0x5e: {  	_ =	shalt  }
0x5f: {  	_ =	shalt  }
0x60: {  	_ =	shalt  }
0x61: {  	_ =	shalt  }
0x62: {  	_ =	shalt  }
0x63: {  	_ =	shalt  }
0x64: {  	_ =	shalt  }
0x65: {  	_ =	shalt  }
0x66: {  	_ =	shalt  }
0x67: {  	_ =	shalt  }
0x68: {  	_ =	shalt  }
0x69: {  	_ =	shalt  }
0x6a: {  	_ =	shalt  }
0x6b: {  	_ =	shalt  }
0x6c: {  	_ =	shalt  }
0x6d: {  	_ =	shalt  }
0x6e: {  	_ =	shalt  }
0x6f: {  	_ =	shalt  }
0x70: {  	_ =	shalt  }
0x71: {  	_ =	shalt  }
0x72: {  	_ =	shalt  }
0x73: {  	_ =	shalt  }
0x74: {  	_ =	shalt  }
0x75: {  	_ =	shalt  }
0x76: {  	_ =	shalt  }
0x77: {  	_ =	shalt  }
0x78: {  	_ =	shalt  }
0x79: {  	_ =	shalt  }
0x7a: {  	_ =	shalt  }
0x7b: {  	_ =	shalt  }
0x7c: {  	_ =	shalt  }
0x7d: {  	_ =	shalt  }
0x7e: {  	_ =	shalt  }
0x7f: {  	_ =	shalt  }
0x80: {  	_ =	shalt  }
0x81: {  	_ =	shalt  }
0x82: {  	_ =	shalt  }
0x83: {  	_ =	shalt  }
0x84: {  	_ =	shalt  }
0x85: {  	_ =	shalt  }
0x86: {  	_ =	shalt  }
0x87: {  	_ =	shalt  }
.Lfunc_end0:
.L_simem_size_0:
called_computation_lowered:
.L_overlay_start_0:
0x88: {  	s2 =	sld [smem:$0x3FD9]  }
0x89: {  	s3 =	sld [smem:$0x3FFE];
	_ =	sdelay $0x1  }
0x8a: {  	s1 =	srdreg.scid  }
0x8b: {  	s0 =	sand.u32 $0x1, s1  }
0x8c: {  	s14 =	sshll.u32 s0, $0xA;
	s2 =	sadd.s32 s3, s2  }
0x8d: {  	s2 =	sadd.s32 s2, s14  }
0x8e: {  	[smem:$0x3F90] =	sst s2  }
0x8f: {  	_ = 	snop  }
0x90: {  	s2 =	sld [smem:$0x3FD0];
	_ =	sdelay $0x2  }
0x91: {  	s15 =	simm.s32 $0xA;
	s4 =	simm.s32 $0x10  }
0x92: {  	[smem:s4], [sflag:s15] =	dma.local [hbm:s2], $0x1  }
0x93: {  	_ =	swait.eq [sflag:s15], $0x1  }
0x94: {  	[sflag:s15] =	ssyncset.done $0x0  }
0x95: {  	s16 =	sld [smem:$0x10];
	[sflag:s15] =	ssyncadd.s32 $0xFFFFFFFF  }
0x96: {  	s17 =	sld [smem:$0x11];
	(tm) =	ssettm $0x1  }
0x97: {  	s18 =	sld [smem:$0x3FFB];
	_ =	sdelay $0x3  }
0x98: {  	_ =	strace s18  }
0x99: {  	s4 =	sld [smem:$0x3FFC];
	_ =	sdelay $0x3  }
0x9a: {  	_ =	strace s4  }
0x9b: {  	s4 =	sld [smem:$0x3FFD];
	_ =	sdelay $0x3  }
0x9c: {  	_ =	strace s4  }
0x9d: {  	_ =	strace $0x8FFFFFFF  }
0x9e: {  	s19 =	sld [smem:$0x3FDB];
	_ =	sdelay $0x1  }
0x9f: {  	s5 =	simm.s32 $_scs_section_size  }
0xa0: {  	s6 =	simm.s32 $_size__tile_overlayer_lowered;
	s7 =	simm.s32 $_tile_overlayer_lowered  }
0xa1: {  	s22 =	simm.s32 $0x1BFF;
	s21 =	sshll.u32 s7, $0x1;
	s4 =	sadd.s32 s5, s19  }
0xa2: {  	s8 =	simm.s32 $0x0;
	s20 =	sshll.u32 s6, $0x1;
	s6 =	sadd.s32 s21, s4  }
0xa3: {  	[timem:s8], [sflag:s22] =	dma.local [hbm:s6], s20  }
0xa4: {  	_ =	swait.ge [sflag:s22], s20  }
0xa5: {  	s5 =	ssub.s32 $0x0, s20;
	[sflag:s22] =	ssyncset.done $0x0  }
0xa6: {  	[sflag:s22] =	ssyncadd.s32 s5;
	_ =	sdelay $0x1  }
0xa7: {  	s23 =	simm.s32 $0x1B8B  }
0xa8: {  	_ =	swait.ge [sflag:s23], $0x1  }
0xa9: {  	[sflag:s23] =	ssyncset.done $0x0  }
0xaa: {  	s25 =	simm.s32 $0x1B8E;
	s24 =	sld [smem:$0x3FFE];
	[sflag:s23] =	ssyncadd.s32 $0xFFFFFFFF  }
0xab: {  	s26 =	simm.s32 $execute0_lowered;
	[smem:$0x3FD2] =	sst s25  }
0xac: {  	s6 =	sshll.u32 s26, $0x1;
	_ =	strace $0x80000046;
	[dreg:$0x1] =	wrdreg $0xFFFFFFFF  }
0xad: {  	s28 =	simm.s32 $_size_execute0_lowered;
	s4 =	sadd.s32 s4, s6;
	[dreg:$0x0] =	wrdreg $0x0  }
0xae: {  	s6 =	sshll.u32 s28, $0x1;
	[dreg:$0x2] =	wrdreg s4  }
0xaf: {  	[dreg:$0x3] =	wrdreg s6  }
0xb0: {  	[dreg:$0x4] =	wrdreg $0xC0  }
0xb1: {  	_ =	task [dreg:s8], $0x5FFFF  }
0xb2: {  	[dreg:$0x1] =	wrdreg $0xFFFFFFFF  }
0xb3: {  	[dreg:$0x0] =	wrdreg $0x60  }
0xb4: {  	[dreg:$0x2] =	wrdreg s24  }
0xb5: {  	[dreg:$0x3] =	wrdreg s17  }
0xb6: {  	[dreg:$0x4] =	wrdreg s16  }
0xb7: {  	[dreg:$0x5] =	wrdreg $0x9  }
0xb8: {  	_ =	task.clear_ibuf [dreg:s8], $0x6FFFF;
	_ =	strace $0x90000046  }
0xb9: {  	s29 =	simm.s32 $0x9;
	_ =	strace $0x80000048  }
0xba: {  	_ =	swait.ge [sflag:s29], $0x1  }
0xbb: {  	[sflag:s29] =	ssyncadd.s32 $0xFFFFFFFF  }
0xbc: {  	_ =	strace $0x90000048  }
0xbd: {  	_ =	sfence  }
0xbe: {  	s30 =	sld [smem:$0x0];
	_ =	sdelay $0x2  }
0xbf: {  	s31 =	sshll.u32 s1, $0xD;
	s1 =	sshrl.u32 s1, $0x2  }
0xc0: {  	s3 =	sand.u32 $0x4000, s31;
	s1 =	sadd.s32 s1, s30  }
0xc1: {  	s0 =	sor.u32 s3, s0;
	s1 =	sshll.u32 s1, $0x11  }
0xc2: {  	s0 =	sor.u32 s1, s0  }
0xc3: {  	s0 =	sadd.s32 $0x8F2B, s0  }
0xc4: {  	[sflag:s0] =	ssyncadd.remote.s32 $0x1  }
0xc5: {  	_ =	sfence.sel $0xFFFF  }
0xc6: {  	[dreg:$0x0] =	wrdreg $0xFFFFFFFF;
	(pc) =	sbr.abs _section_cstart, $3  }
0xc7: {  	[dreg:$0x1] =	wrdreg $0xFFFFFFFF  }
0xc8: {  	_ =	task.clear_ibuf [dreg:s8], $0x2FFFF;
	_ =	strace $0x9FFFFFFF  }
0xc9: {  	(tm) =	ssettm $0x7FFFFFFF  }
tec
execute0_lowered:
.L_overlay_start_1:
0x0: {  	(tag) =	ssettag $0x1  }
0x1: {  	s7 =	rddreg [dreg:$0x0]  }
0x2: {  	s2 =	rddreg [dreg:$0x1]  }
0x3: {  	s3 =	rddreg [dreg:$0x2]  }
0x4: {  	s0 =	rddreg [dreg:$0x3];
	s1 =	srdreg.scid;
	_ =	strace $0x80000047  }
0x5: {  	s4 =	simm.s32 $0x1;
	s9 =	simm.s32 $0x3;
	s5 =	sshll.u32 s1, $0x4  }
.Ltmp0:
0x6: {  	s1 =	stileid.u32;
	s5 =	sand.u32 $0x10, s5;
	(pc) =	sbr.rel .LBB2_1-.Ltmp0, $4  }
0x7: {  	s12 =	simm.s32 $0x0;
	s10 =	simm.s32 $0x0;
	s6 =	sor.u32 s1, s5  }
0x8: {  	[sflag:s4] =	ssyncpa.u1 $0x0;
	s5 =	simm.s32 $0x2;
	s6 =	sshll.u32 s6, $0x7  }
0x9: {  	s7 =	sadd.s32 $0x6C00, s7;
	[sflag:s5] =	ssyncpa.u1 $0x0;
	s8 =	sadd.s32 $0x80, s6  }
0xa: {  	vm0 =	vmmov $0xff;
	vm1 =	vcmask $0x3F20;
	[sflag:s9] =	ssyncpa.u1 $0x0;
	s9 =	simm.s32 $0x80;
	s11 =	smov.u32 s6  }
.LBB2_9:
0xb: {  	p0 =	seq.s32 s10, $0x2  }
.Ltmp1:
0xc: {  	_ = 	snop;
	(pc) =	sbr.rel @p0 .LBB2_11-.Ltmp1, $1  }
0xd: {  	_ =	sdelay $0x3  }
.LBB2_10:
0xe: {  	s12 =	sadd.s32 $0x80, s11  }
0xf: {  	s13 =	smov.u32 s6;
	p0 =	slt.s32 s12, s8  }
0x10: {  	s13 =	smov.u32 @p0 s12  }
0x11: {  	s10 =	sadd.s32 $0x1, s10;
	s12 =	smov.u32 s11;
	s11 =	smov.u32 s13  }
.LBB2_1:
0x12: {  	p0 =	sne.s32 s10, $0x0  }
.Ltmp2:
0x13: {  	_ = 	snop;
	(pc) =	sbr.rel @!p0 .LBB2_2-.Ltmp2, $1  }
0x14: {  	_ =	sdelay $0x3  }
0x15: {  	s13 =	sand.u32 $0x1, s10  }
0x16: {  	p0 =	seq.s32 s13, $0x0  }
.Ltmp3:
0x17: {  	_ = 	snop;
	(pc) =	sbr.rel @p0 .LBB2_9-.Ltmp3, $1  }
0x18: {  	_ =	sdelay $0x3  }
0x19: {  	_ =	swait.ge [sflag:s5], $0x80  }
0x1a: {  	[sflag:s5] =	ssyncset.done $0x0  }
0x1b: {  	s13 =	simm.s32 $0x0;
	[sflag:s5] =	ssyncadd.s32 $0xFFFFFF80  }
0x1c: {  	v0 =	vld.msk [tilespmem:s13+$0x80 ss:$0x1], $0xffff;
	_ =	sdelay $0x4  }
0x1d: {  	v1 =	vshll.u32 v0, $0x5  }
0x1e: {  	vm2 =	veq.s32 v0, $0x80000000;
	v0 =	vshll.u32 v0, $0x13;
	v1 =	vand.u32 $0x7FF80, v1  }
0x1f: {  	v0 =	vand.u32 $0x180000, v0;
	v1 =	vsel vm2, $0xFFFFFF80, v1  }
0x20: {  	v0 =	vsel vm2, $0xFFF80000, v0;
	v2 =	vand.u32 $0xFFFFFC00, v1  }
0x21: {  	v1 =	vand.u32 $0x380, v1;
	v0 =	vadd.s32 v0, v2  }
0x22: {  	v0 =	vor.u32 v1, v0  }
0x23: {  	v0 =	vshrl.u32 v0, $0x3;
	_ =	sdelay $0x3  }
0x24: {  	s13 =	simm.s32 $0x4100  }
0x25: {  	[tilespmem:s13], [sflag:$0x1] =	stream.indirect_vreg.gather [hbm:s7], $0x80, v0, vm0, $0x38;
	[tilespmem:$0x8100] =	vst v63  }
0x26: {  	s14 =	simm.s32 $0x4500;
	s31 =	simm.s32 $0x10  }
0x27: {  	[tilespmem:s14], [sflag:$0x1] =	stream.indirect_vreg.gather [hbm:s7], $0x80, v0, vm1, $0x38;
	[tilespmem:$0x8100] =	vst v63  }
0x28: {  	s14 =	simm.s32 $0x80;
	v0 =	vld.msk [tilespmem:s31+$0x80 ss:$0x1], $0xffff  }
.LBB2_5:
0x29: {  	p0 =	sne.s32 s14, $0x1C0;
	_ =	sdelay $0x4  }
0x2a: {  	v1 =	vshll.u32 v0, $0x5  }
0x2b: {  	vm2 =	veq.s32 v0, $0x80000000;
	v0 =	vshll.u32 v0, $0x13;
	v1 =	vand.u32 $0x7FF80, v1  }
0x2c: {  	v0 =	vand.u32 $0x180000, v0;
	v1 =	vsel vm2, $0xFFFFFF80, v1  }
0x2d: {  	v0 =	vsel vm2, $0xFFF80000, v0;
	v2 =	vand.u32 $0xFFFFFC00, v1  }
0x2e: {  	v1 =	vand.u32 $0x380, v1;
	v0 =	vadd.s32 v0, v2  }
0x2f: {  	v0 =	vor.u32 v1, v0  }
0x30: {  	v0 =	vshrl.u32 v0, $0x3;
	_ =	sdelay $0x3  }
.Ltmp4:
0x31: {  	s13 =	sadd.s32 $0x800, s13;
	(pc) =	sbr.rel @p0 .LBB2_5-.Ltmp4, $4  }
0x32: {  	[tilespmem:s13], [sflag:$0x1] =	stream.indirect_vreg.gather [hbm:s7], $0x80, v0, vm0, $0x38;
	[tilespmem:$0x8100] =	vst v63  }
0x33: {  	s15 =	sshra.s32 s14, $0x2;
	s16 =	sadd.s32 $0x400, s13  }
0x34: {  	[tilespmem:s16], [sflag:$0x1] =	stream.indirect_vreg.gather [hbm:s7], $0x80, v0, vm1, $0x38;
	[tilespmem:$0x8100] =	vst v63  }
0x35: {  	s14 =	sadd.s32 $0x40, s14;
	v0 =	vld.msk [tilespmem:s15+$0x80 ss:$0x1], $0xffff  }
0x36: {  	_ =	sdelay $0x3  }
0x37: {  	v1 =	vshll.u32 v0, $0x5  }
0x38: {  	vm2 =	veq.s32 v0, $0x80000000;
	v63 =	vshll.u32 v0, $0x13;
	v1 =	vand.u32 $0x7FF80, v1  }
0x39: {  	v0 =	vand.u32 $0x180000, v63;
	v1 =	vsel vm2, $0xFFFFFF80, v1  }
0x3a: {  	v0 =	vsel vm2, $0xFFF80000, v0;
	v2 =	vand.u32 $0xFFFFFC00, v1  }
0x3b: {  	v1 =	vand.u32 $0x380, v1;
	v0 =	vadd.s32 v0, v2  }
0x3c: {  	v0 =	vor.u32 v1, v0  }
0x3d: {  	v0 =	vshrl.u32 v0, $0x3;
	_ =	sdelay $0x3  }
0x3e: {  	s13 =	sadd.s32 $0x800, s13  }
0x3f: {  	[tilespmem:s13], [sflag:$0x1] =	stream.indirect_vreg.gather [hbm:s7], $0x80, v0, vm0, $0x38;
	[tilespmem:$0x8100] =	vst v63  }
0x40: {  	s13 =	sadd.s32 $0x400, s13  }
0x41: {  	[tilespmem:s13], [sflag:$0x1] =	stream.indirect_vreg.gather [hbm:s7], $0x80, v0, vm1, $0x38;
	[tilespmem:$0x8100] =	vst v63  }
0x42: {  	s12 =	sshll.u32 s12, $0x4;
	s14 =	simm.s32 $0x80;
	_ =	swait.ge [sflag:s4], $0x4000  }
0x43: {  	s15 =	simm.s32 $0x4500;
	s12 =	sadd.s32 s12, s3;
	[sflag:s4] =	ssyncset.done $0x0  }
0x44: {  	s16 =	sadd.s32 $0x0, s12;
	s13 =	simm.s32 $0x4100;
	[sflag:s4] =	ssyncadd.s32 $0xFFFFC000  }
.LBB2_7:
0x45: {  	[hbm:s16] =	stream.linear.scatter [tilespmem:s13], [sflag:$0x3], $0x400, $0x38;
	[tilespmem:$0x8100] =	vst v63  }
0x46: {  	s16 =	smov.u32 s14;
	s13 =	smov.u32 s15;
	p0 =	sne.s32 s14, $0x780  }
.Ltmp5:
0x47: {  	s14 =	sadd.s32 $0x80, s14;
	(pc) =	sbr.rel @p0 .LBB2_7-.Ltmp5, $2  }
0x48: {  	_ =	sdelay $0x2  }
0x49: {  	s15 =	sadd.s32 $0x400, s15;
	s16 =	sadd.s32 s16, s12  }
.Ltmp6:
0x4a: {  	(pc) =	sbr.rel .LBB2_9-.Ltmp6, $2  }
0x4b: {  	_ =	sdelay $0x2  }
0x4c: {  	[hbm:s16] =	stream.linear.scatter [tilespmem:s13], [sflag:$0x3], $0x400, $0x38;
	[tilespmem:$0x8100] =	vst v63  }
.LBB2_2:
.Ltmp7:
0x4d: {  	(pc) =	sbr.rel .LBB2_10-.Ltmp7, $4  }
0x4e: {  	_ = 	snop  }
0x4f: {  	s12 =	sshrl.u32 s11, $0x3  }
0x50: {  	s13 =	sand.u32 $0x7, s11;
	s12 =	sadd.s32 s2, s12  }
0x51: {  	[tilespmem:s9], [sflag:$0x2] =	stream.linear.gather [hbm4b:s12+s13], $0x80, $0x38;
	[tilespmem:$0x8100] =	vst v63  }
.LBB2_11:
0x52: {  	s2 =	simm.s32 $0x3  }
0x53: {  	_ =	swait.ge [sflag:s2], $0x4000  }
0x54: {  	[sflag:s2] =	ssyncset.done $0x0  }
0x55: {  	[sflag:s2] =	ssyncadd.s32 $0xFFFFC000  }
0x56: {  	_ =	sfence.sel $0x180000  }
0x57: {  	s3 =	simm.s32 $0x2;
	[bflag:$0x0] =	sbarrier.arrive $0xFFFF  }
0x58: {  	[sflag:s3] =	ssyncpa.u1 $0x1  }
0x59: {  	s31 =	simm.s32 $0x1;
	[sflag:s2] =	ssyncpa.u1 $0x1  }
0x5a: {  	[sflag:s31] =	ssyncpa.u1 $0x1  }
0x5b: {  	p0 =	sne.s32 s1, $0x0;
	_ =	strace $0x90000047  }
0x5c: {  	s0 =	sadd.s32 @!p0 $0x100000, s0;
	[bflag:$0x2] =	sbarrier.arrive $0xFFFF  }
0x5d: {  	[sflag:s0] =	ssyncadd.tile.s32 @!p0 $0x1;
	_ =	shalt  }
.Lfunc_end2:
_tile_overlayer_lowered:
.L_overlay_start_2:
0x5e: {  	(tag) =	ssettag $0x2  }
0x5f: {  	s0 =	rddreg [dreg:$0x0];
	s2 =	stileid.u32  }
0x60: {  	s1 =	rddreg [dreg:$0x1];
	p0 =	sne.s32 s2, $0x0  }
0x61: {  	s3 =	rddreg [dreg:$0x2];
	[bflag:$0x3] =	sbarrier.arrive $0xFFFF;
	s2 =	simm.s32 @!p0 $0x1C01  }
0x62: {  	[timem:s3], [sflag:s2] =	dma.local @!p0 [hbm:s0], s1  }
0x63: {  	s0 =	simm.s32 @!p0 $0x1  }
0x64: {  	_ =	swait.ge @!p0 [sflag:s0], s1  }
0x65: {  	s1 =	ssub.s32 @!p0 $0x0, s1;
	[sflag:s0] =	ssyncset.done @!p0 $0x0  }
0x66: {  	[sflag:s0] =	ssyncadd.s32 @!p0 s1  }
0x67: {  	[bflag:$0x3] =	sbarrier.arrive $0xFFFF  }
0x68: {  	_ =	shalt  }

</sc_bundles>
